<compile_context>
chip_gen: v7x
topology: tpu7x:2x2x1
jax: 0.10.2.dev20260603
libtpu: 0.0.44.dev20260713+nightly
codegen_flags: <defaults>
</compile_context>

<pallas_src>
import functools
import math

import jax
import jax.numpy as jnp
from jax import lax
from jax.experimental import pallas as pl
from jax.experimental.pallas import tpu as pltpu
from jax.experimental.pallas import tpu_sc as plsc

D_MODEL = 64
SCALE = math.sqrt(D_MODEL)

_INFO = plsc.get_sparse_core_info()
_NC, _NS, _L = _INFO.num_cores, _INFO.num_subcores, _INFO.num_lanes
_NW = _NC * _NS

B_TOTAL = 16384 * 50
B_PER_W = B_TOTAL // _NW
CHUNK = 256
NBUF = 5
DEPTH = NBUF - 1
N_CHUNKS = B_PER_W // CHUNK
ROUNDS = N_CHUNKS // NBUF

_mesh = plsc.VectorSubcoreMesh(core_axis_name="c", subcore_axis_name="s")


@functools.partial(
    pl.kernel,
    mesh=_mesh,
    compiler_params=pltpu.CompilerParams(use_tc_tiling_on_sc=False),
    out_type=jax.ShapeDtypeStruct((B_TOTAL, D_MODEL), jnp.float32),
    scratch_types=[
        pltpu.VMEM((NBUF, CHUNK), jnp.int32),
        pltpu.VMEM((NBUF, CHUNK, D_MODEL), jnp.float32),
    ]
    + [pltpu.SemaphoreType.DMA] * (3 * NBUF),
)
def _emb_lookup(x_hbm, table_hbm, out_hbm, idx_v, rows_v, *sems):
    isems = sems[0:NBUF]
    gsems = sems[NBUF : 2 * NBUF]
    wsems = sems[2 * NBUF : 3 * NBUF]

    wid = lax.axis_index("s") * _NC + lax.axis_index("c")
    base = wid * B_PER_W

    def start_idx(ci, s):
        pltpu.async_copy(
            x_hbm.at[pl.ds(base + ci * CHUNK, CHUNK)], idx_v.at[s], isems[s]
        )

    def wait_idx(s):
        pltpu.make_async_copy(
            x_hbm.at[pl.ds(0, CHUNK)], idx_v.at[s], isems[s]
        ).wait()

    def fire_gathers(s):
        pltpu.async_copy(table_hbm.at[idx_v.at[s]], rows_v.at[s], gsems[s])

    def wait_gathers(s):
        pltpu.make_async_copy(
            table_hbm.at[pl.ds(0, CHUNK)], rows_v.at[s], gsems[s]
        ).wait()

    def start_write(ci, s):
        pltpu.async_copy(
            rows_v.at[s], out_hbm.at[pl.ds(base + ci * CHUNK, CHUNK)], wsems[s]
        )

    def wait_write(s):
        pltpu.make_async_copy(
            rows_v.at[s], out_hbm.at[pl.ds(0, CHUNK)], wsems[s]
        ).wait()

    for c in range(DEPTH + 1):
        start_idx(c, c % NBUF)
    for c in range(DEPTH):
        wait_idx(c % NBUF)
        fire_gathers(c % NBUF)

    def round_body(r, _):
        for s in range(NBUF):
            c = r * NBUF + s

            wait_gathers(s)

            t = (s + DEPTH) % NBUF

            @pl.when(c + DEPTH < N_CHUNKS)
            def _prefetch():
                wait_idx(t)

                @pl.when(c >= 1)
                def _():
                    wait_write(t)

                fire_gathers(t)

                @pl.when(c + DEPTH + 1 < N_CHUNKS)
                def _():
                    start_idx(c + DEPTH + 1, s)

            @plsc.parallel_loop(0, CHUNK, 1, unroll=8)
            def _scale(row):
                for col in range(D_MODEL // _L):
                    sl = pl.ds(col * _L, _L)
                    rows_v[s, row, sl] = rows_v[s, row, sl] * SCALE

            start_write(c, s)
        return ()

    lax.fori_loop(0, ROUNDS, round_body, ())
    for s in range(NBUF):
        wait_write(s)


def kernel(x, table):
    n, s = x.shape
    flat_idx = x.reshape(n * s).astype(jnp.int32)
    out = _emb_lookup(flat_idx, table)
    return out.reshape(n, s, D_MODEL)

# --- scband reference (transcript-rebuilt; emitter-appended) ---
"""Pipeline reference for scband-embeddings-28827820491308 (READ-ONLY COPY).

The authoritative reference and input builder live on the scoring server;
editing this copy changes nothing except your own understanding.
"""

import jax, jax.numpy as jnp
import numpy as np
import math

D_MODEL = 64
VOCAB = 1000000

def setup_inputs(seed: int = 0) -> dict:
    key = jax.random.key(seed)
    k1, k2 = jax.random.split(key)
    x = jax.random.randint(k1, (16384, 50), 0, VOCAB, dtype=jnp.int64 if jax.config.jax_enable_x64 else jnp.int32)
    table = jax.random.normal(k2, (VOCAB, D_MODEL), dtype=jnp.float32)
    return {"x": x, "table": table}

def reference(x, table):
    # Faithful translation of: self.embedding(x) * math.sqrt(self.d_model)
    emb = jnp.take(table, x, axis=0)
    return emb * math.sqrt(D_MODEL)

if __name__ == "__main__":
    import jax
    _d = setup_inputs()
    print(jax.jit(kernel)(*tuple(_d.values())))

</pallas_src>

<mosaic_0001>
#map = affine_map<(d0, d1) -> (0)>
#map1 = affine_map<(d0, d1) -> (0, 0)>
module attributes {stable_mosaic.version = 14 : i64} {
  func.func @_emb_lookup(%arg0: i32, %arg1: i32, %arg2: memref<819200xi32, #tpu.memory_space<hbm>>, %arg3: memref<1000000x64xf32, #tpu.memory_space<hbm>>, %arg4: memref<819200x64xf32, #tpu.memory_space<hbm>>, %arg5: memref<5x256xi32, #tpu.memory_space<vmem>>, %arg6: memref<5x256x64xf32, #tpu.memory_space<vmem>>, %arg7: memref<!tpu.dma_semaphore, #tpu.memory_space<semaphore_mem>>, %arg8: memref<!tpu.dma_semaphore, #tpu.memory_space<semaphore_mem>>, %arg9: memref<!tpu.dma_semaphore, #tpu.memory_space<semaphore_mem>>, %arg10: memref<!tpu.dma_semaphore, #tpu.memory_space<semaphore_mem>>, %arg11: memref<!tpu.dma_semaphore, #tpu.memory_space<semaphore_mem>>, %arg12: memref<!tpu.dma_semaphore, #tpu.memory_space<semaphore_mem>>, %arg13: memref<!tpu.dma_semaphore, #tpu.memory_space<semaphore_mem>>, %arg14: memref<!tpu.dma_semaphore, #tpu.memory_space<semaphore_mem>>, %arg15: memref<!tpu.dma_semaphore, #tpu.memory_space<semaphore_mem>>, %arg16: memref<!tpu.dma_semaphore, #tpu.memory_space<semaphore_mem>>, %arg17: memref<!tpu.dma_semaphore, #tpu.memory_space<semaphore_mem>>, %arg18: memref<!tpu.dma_semaphore, #tpu.memory_space<semaphore_mem>>, %arg19: memref<!tpu.dma_semaphore, #tpu.memory_space<semaphore_mem>>, %arg20: memref<!tpu.dma_semaphore, #tpu.memory_space<semaphore_mem>>, %arg21: memref<!tpu.dma_semaphore, #tpu.memory_space<semaphore_mem>>) attributes {dimension_semantics = [#tpu.dimension_semantics<core_parallel>, #tpu.dimension_semantics<subcore_parallel>], iteration_bounds = array<i64: 2, 16>, scalar_prefetch = 0 : i64, scratch_operands = 17 : i64, tpu.core_type = #tpu.core_type<sc_vector_subcore>, window_params = [{transform_indices = #map}, {transform_indices = #map1}, {transform_indices = #map1}]} {
    %mul3A = arith.constant 2 : i32
    %mul3A_0 = arith.muli %arg1, %mul3A : i32
    %add3A = arith.addi %mul3A_0, %arg0 : i32
    %mul3A_1 = arith.constant 25600 : i32
    %mul3A_2 = arith.muli %add3A, %mul3A_1 : i32
    %add3A_3 = arith.constant 0 : i32
    %add3A_4 = arith.addi %mul3A_2, %add3A_3 : i32
    %dma_start3A = arith.constant 0 : i32
    %dma_start3A_5 = arith.constant 0 : i32
    %dma_start3A_6 = tpu.memref_slice %arg5[%dma_start3A, %dma_start3A_5] : memref<5x256xi32, #tpu.memory_space<vmem>> -> memref<1x256xi32, #tpu.memory_space<vmem>>
    %dma_start3A_7 = tpu.memref_squeeze %dma_start3A_6 : memref<1x256xi32, #tpu.memory_space<vmem>> -> memref<256xi32, #tpu.memory_space<vmem>>
    %dma_start3A_8 = tpu.memref_slice %arg2[%add3A_4] : memref<819200xi32, #tpu.memory_space<hbm>> -> memref<256xi32, #tpu.memory_space<hbm>>
    %dma_start3A_9 = arith.constant 0 : i32
    %dma_start3A_10 = tpu.memref_slice %arg5[%dma_start3A, %dma_start3A_9] : memref<5x256xi32, #tpu.memory_space<vmem>> -> memref<1x256xi32, #tpu.memory_space<vmem>>
    %dma_start3A_11 = tpu.memref_squeeze %dma_start3A_10 : memref<1x256xi32, #tpu.memory_space<vmem>> -> memref<256xi32, #tpu.memory_space<vmem>>
    %dma_start3A_12 = tpu.memref_slice %arg2[%add3A_4] : memref<819200xi32, #tpu.memory_space<hbm>> -> memref<256xi32, #tpu.memory_space<hbm>>
    tpu.enqueue_dma source(%dma_start3A_12 : memref<256xi32, #tpu.memory_space<hbm>>) target(%dma_start3A_11 : memref<256xi32, #tpu.memory_space<vmem>>) target_semaphore(%arg7 : memref<!tpu.dma_semaphore, #tpu.memory_space<semaphore_mem>>)
    %add3A_13 = arith.constant 256 : i32
    %add3A_14 = arith.addi %mul3A_2, %add3A_13 : i32
    %dma_start3A_15 = arith.constant 1 : i32
    %dma_start3A_16 = arith.constant 0 : i32
    %dma_start3A_17 = tpu.memref_slice %arg5[%dma_start3A_15, %dma_start3A_16] : memref<5x256xi32, #tpu.memory_space<vmem>> -> memref<1x256xi32, #tpu.memory_space<vmem>>
    %dma_start3A_18 = tpu.memref_squeeze %dma_start3A_17 : memref<1x256xi32, #tpu.memory_space<vmem>> -> memref<256xi32, #tpu.memory_space<vmem>>
    %dma_start3A_19 = tpu.memref_slice %arg2[%add3A_14] : memref<819200xi32, #tpu.memory_space<hbm>> -> memref<256xi32, #tpu.memory_space<hbm>>
    %dma_start3A_20 = arith.constant 0 : i32
    %dma_start3A_21 = tpu.memref_slice %arg5[%dma_start3A_15, %dma_start3A_20] : memref<5x256xi32, #tpu.memory_space<vmem>> -> memref<1x256xi32, #tpu.memory_space<vmem>>
    %dma_start3A_22 = tpu.memref_squeeze %dma_start3A_21 : memref<1x256xi32, #tpu.memory_space<vmem>> -> memref<256xi32, #tpu.memory_space<vmem>>
    %dma_start3A_23 = tpu.memref_slice %arg2[%add3A_14] : memref<819200xi32, #tpu.memory_space<hbm>> -> memref<256xi32, #tpu.memory_space<hbm>>
    tpu.enqueue_dma source(%dma_start3A_23 : memref<256xi32, #tpu.memory_space<hbm>>) target(%dma_start3A_22 : memref<256xi32, #tpu.memory_space<vmem>>) target_semaphore(%arg8 : memref<!tpu.dma_semaphore, #tpu.memory_space<semaphore_mem>>)
    %add3A_24 = arith.constant 512 : i32
    %add3A_25 = arith.addi %mul3A_2, %add3A_24 : i32
    %dma_start3A_26 = arith.constant 2 : i32
    %dma_start3A_27 = arith.constant 0 : i32
    %dma_start3A_28 = tpu.memref_slice %arg5[%dma_start3A_26, %dma_start3A_27] : memref<5x256xi32, #tpu.memory_space<vmem>> -> memref<1x256xi32, #tpu.memory_space<vmem>>
    %dma_start3A_29 = tpu.memref_squeeze %dma_start3A_28 : memref<1x256xi32, #tpu.memory_space<vmem>> -> memref<256xi32, #tpu.memory_space<vmem>>
    %dma_start3A_30 = tpu.memref_slice %arg2[%add3A_25] : memref<819200xi32, #tpu.memory_space<hbm>> -> memref<256xi32, #tpu.memory_space<hbm>>
    %dma_start3A_31 = arith.constant 0 : i32
    %dma_start3A_32 = tpu.memref_slice %arg5[%dma_start3A_26, %dma_start3A_31] : memref<5x256xi32, #tpu.memory_space<vmem>> -> memref<1x256xi32, #tpu.memory_space<vmem>>
    %dma_start3A_33 = tpu.memref_squeeze %dma_start3A_32 : memref<1x256xi32, #tpu.memory_space<vmem>> -> memref<256xi32, #tpu.memory_space<vmem>>
    %dma_start3A_34 = tpu.memref_slice %arg2[%add3A_25] : memref<819200xi32, #tpu.memory_space<hbm>> -> memref<256xi32, #tpu.memory_space<hbm>>
    tpu.enqueue_dma source(%dma_start3A_34 : memref<256xi32, #tpu.memory_space<hbm>>) target(%dma_start3A_33 : memref<256xi32, #tpu.memory_space<vmem>>) target_semaphore(%arg9 : memref<!tpu.dma_semaphore, #tpu.memory_space<semaphore_mem>>)
    %add3A_35 = arith.constant 768 : i32
    %add3A_36 = arith.addi %mul3A_2, %add3A_35 : i32
    %dma_start3A_37 = arith.constant 3 : i32
    %dma_start3A_38 = arith.constant 0 : i32
    %dma_start3A_39 = tpu.memref_slice %arg5[%dma_start3A_37, %dma_start3A_38] : memref<5x256xi32, #tpu.memory_space<vmem>> -> memref<1x256xi32, #tpu.memory_space<vmem>>
    %dma_start3A_40 = tpu.memref_squeeze %dma_start3A_39 : memref<1x256xi32, #tpu.memory_space<vmem>> -> memref<256xi32, #tpu.memory_space<vmem>>
    %dma_start3A_41 = tpu.memref_slice %arg2[%add3A_36] : memref<819200xi32, #tpu.memory_space<hbm>> -> memref<256xi32, #tpu.memory_space<hbm>>
    %dma_start3A_42 = arith.constant 0 : i32
    %dma_start3A_43 = tpu.memref_slice %arg5[%dma_start3A_37, %dma_start3A_42] : memref<5x256xi32, #tpu.memory_space<vmem>> -> memref<1x256xi32, #tpu.memory_space<vmem>>
    %dma_start3A_44 = tpu.memref_squeeze %dma_start3A_43 : memref<1x256xi32, #tpu.memory_space<vmem>> -> memref<256xi32, #tpu.memory_space<vmem>>
    %dma_start3A_45 = tpu.memref_slice %arg2[%add3A_36] : memref<819200xi32, #tpu.memory_space<hbm>> -> memref<256xi32, #tpu.memory_space<hbm>>
    tpu.enqueue_dma source(%dma_start3A_45 : memref<256xi32, #tpu.memory_space<hbm>>) target(%dma_start3A_44 : memref<256xi32, #tpu.memory_space<vmem>>) target_semaphore(%arg10 : memref<!tpu.dma_semaphore, #tpu.memory_space<semaphore_mem>>)
    %add3A_46 = arith.constant 1024 : i32
    %add3A_47 = arith.addi %mul3A_2, %add3A_46 : i32
    %dma_start3A_48 = arith.constant 4 : i32
    %dma_start3A_49 = arith.constant 0 : i32
    %dma_start3A_50 = tpu.memref_slice %arg5[%dma_start3A_48, %dma_start3A_49] : memref<5x256xi32, #tpu.memory_space<vmem>> -> memref<1x256xi32, #tpu.memory_space<vmem>>
    %dma_start3A_51 = tpu.memref_squeeze %dma_start3A_50 : memref<1x256xi32, #tpu.memory_space<vmem>> -> memref<256xi32, #tpu.memory_space<vmem>>
    %dma_start3A_52 = tpu.memref_slice %arg2[%add3A_47] : memref<819200xi32, #tpu.memory_space<hbm>> -> memref<256xi32, #tpu.memory_space<hbm>>
    %dma_start3A_53 = arith.constant 0 : i32
    %dma_start3A_54 = tpu.memref_slice %arg5[%dma_start3A_48, %dma_start3A_53] : memref<5x256xi32, #tpu.memory_space<vmem>> -> memref<1x256xi32, #tpu.memory_space<vmem>>
    %dma_start3A_55 = tpu.memref_squeeze %dma_start3A_54 : memref<1x256xi32, #tpu.memory_space<vmem>> -> memref<256xi32, #tpu.memory_space<vmem>>
    %dma_start3A_56 = tpu.memref_slice %arg2[%add3A_47] : memref<819200xi32, #tpu.memory_space<hbm>> -> memref<256xi32, #tpu.memory_space<hbm>>
    tpu.enqueue_dma source(%dma_start3A_56 : memref<256xi32, #tpu.memory_space<hbm>>) target(%dma_start3A_55 : memref<256xi32, #tpu.memory_space<vmem>>) target_semaphore(%arg11 : memref<!tpu.dma_semaphore, #tpu.memory_space<semaphore_mem>>)
    %dma_wait3A = arith.constant 0 : i32
    %dma_wait3A_57 = arith.constant 0 : i32
    %dma_wait3A_58 = tpu.memref_slice %arg5[%dma_wait3A, %dma_wait3A_57] : memref<5x256xi32, #tpu.memory_space<vmem>> -> memref<1x256xi32, #tpu.memory_space<vmem>>
    %dma_wait3A_59 = tpu.memref_squeeze %dma_wait3A_58 : memref<1x256xi32, #tpu.memory_space<vmem>> -> memref<256xi32, #tpu.memory_space<vmem>>
    %dma_wait3A_60 = arith.constant 0 : i32
    %dma_wait3A_61 = tpu.memref_slice %arg2[%dma_wait3A_60] : memref<819200xi32, #tpu.memory_space<hbm>> -> memref<256xi32, #tpu.memory_space<hbm>>
    %dma_wait3A_62 = arith.constant 0 : i32
    %dma_wait3A_63 = tpu.memref_slice %arg5[%dma_wait3A, %dma_wait3A_62] : memref<5x256xi32, #tpu.memory_space<vmem>> -> memref<1x256xi32, #tpu.memory_space<vmem>>
    %dma_wait3A_64 = tpu.memref_squeeze %dma_wait3A_63 : memref<1x256xi32, #tpu.memory_space<vmem>> -> memref<256xi32, #tpu.memory_space<vmem>>
    %dma_wait3A_65 = arith.constant 0 : i32
    %dma_wait3A_66 = tpu.memref_slice %arg2[%dma_wait3A_65] : memref<819200xi32, #tpu.memory_space<hbm>> -> memref<256xi32, #tpu.memory_space<hbm>>
    tpu.wait_dma2 semaphore(%arg7 : memref<!tpu.dma_semaphore, #tpu.memory_space<semaphore_mem>>) src(%dma_wait3A_66 : memref<256xi32, #tpu.memory_space<hbm>>) dst(%dma_wait3A_64 : memref<256xi32, #tpu.memory_space<vmem>>)
    %dma_start3A_67 = arith.constant 0 : i32
    %dma_start3A_68 = arith.constant 0 : i32
    %dma_start3A_69 = arith.constant 0 : i32
    %dma_start3A_70 = arith.constant 0 : i32
    %dma_start3A_71 = tpu.memref_slice %arg6[%dma_start3A_68, %dma_start3A_69, %dma_start3A_70] : memref<5x256x64xf32, #tpu.memory_space<vmem>> -> memref<1x256x64xf32, #tpu.memory_space<vmem>>
    %dma_start3A_72 = tpu.memref_squeeze %dma_start3A_71 : memref<1x256x64xf32, #tpu.memory_space<vmem>> -> memref<256x64xf32, #tpu.memory_space<vmem>>
    %dma_start3A_73 = arith.constant 0 : i32
    %dma_start3A_74 = tpu.memref_slice %arg5[%dma_start3A_67, %dma_start3A_73] : memref<5x256xi32, #tpu.memory_space<vmem>> -> memref<1x256xi32, #tpu.memory_space<vmem>>
    %dma_start3A_75 = tpu.memref_squeeze %dma_start3A_74 : memref<1x256xi32, #tpu.memory_space<vmem>> -> memref<256xi32, #tpu.memory_space<vmem>>
    %dma_start3A_76 = arith.constant 0 : i32
    %dma_start3A_77 = arith.constant 0 : i32
    %dma_start3A_78 = tpu.memref_slice %arg3[%dma_start3A_76, %dma_start3A_77] : memref<1000000x64xf32, #tpu.memory_space<hbm>> -> memref<1000000x64xf32, #tpu.memory_space<hbm>>
    tpu.enqueue_indirect_dma source(%dma_start3A_78 : memref<1000000x64xf32, #tpu.memory_space<hbm>>) target(%dma_start3A_72 : memref<256x64xf32, #tpu.memory_space<vmem>>) offsets(%dma_start3A_75 : memref<256xi32, #tpu.memory_space<vmem>>) semaphore(%arg12 : memref<!tpu.dma_semaphore, #tpu.memory_space<semaphore_mem>>)
    %dma_wait3A_79 = arith.constant 1 : i32
    %dma_wait3A_80 = arith.constant 0 : i32
    %dma_wait3A_81 = tpu.memref_slice %arg5[%dma_wait3A_79, %dma_wait3A_80] : memref<5x256xi32, #tpu.memory_space<vmem>> -> memref<1x256xi32, #tpu.memory_space<vmem>>
    %dma_wait3A_82 = tpu.memref_squeeze %dma_wait3A_81 : memref<1x256xi32, #tpu.memory_space<vmem>> -> memref<256xi32, #tpu.memory_space<vmem>>
    %dma_wait3A_83 = arith.constant 0 : i32
    %dma_wait3A_84 = tpu.memref_slice %arg2[%dma_wait3A_83] : memref<819200xi32, #tpu.memory_space<hbm>> -> memref<256xi32, #tpu.memory_space<hbm>>
    %dma_wait3A_85 = arith.constant 0 : i32
    %dma_wait3A_86 = tpu.memref_slice %arg5[%dma_wait3A_79, %dma_wait3A_85] : memref<5x256xi32, #tpu.memory_space<vmem>> -> memref<1x256xi32, #tpu.memory_space<vmem>>
    %dma_wait3A_87 = tpu.memref_squeeze %dma_wait3A_86 : memref<1x256xi32, #tpu.memory_space<vmem>> -> memref<256xi32, #tpu.memory_space<vmem>>
    %dma_wait3A_88 = arith.constant 0 : i32
    %dma_wait3A_89 = tpu.memref_slice %arg2[%dma_wait3A_88] : memref<819200xi32, #tpu.memory_space<hbm>> -> memref<256xi32, #tpu.memory_space<hbm>>
    tpu.wait_dma2 semaphore(%arg8 : memref<!tpu.dma_semaphore, #tpu.memory_space<semaphore_mem>>) src(%dma_wait3A_89 : memref<256xi32, #tpu.memory_space<hbm>>) dst(%dma_wait3A_87 : memref<256xi32, #tpu.memory_space<vmem>>)
    %dma_start3A_90 = arith.constant 1 : i32
    %dma_start3A_91 = arith.constant 1 : i32
    %dma_start3A_92 = arith.constant 0 : i32
    %dma_start3A_93 = arith.constant 0 : i32
    %dma_start3A_94 = tpu.memref_slice %arg6[%dma_start3A_91, %dma_start3A_92, %dma_start3A_93] : memref<5x256x64xf32, #tpu.memory_space<vmem>> -> memref<1x256x64xf32, #tpu.memory_space<vmem>>
    %dma_start3A_95 = tpu.memref_squeeze %dma_start3A_94 : memref<1x256x64xf32, #tpu.memory_space<vmem>> -> memref<256x64xf32, #tpu.memory_space<vmem>>
    %dma_start3A_96 = arith.constant 0 : i32
    %dma_start3A_97 = tpu.memref_slice %arg5[%dma_start3A_90, %dma_start3A_96] : memref<5x256xi32, #tpu.memory_space<vmem>> -> memref<1x256xi32, #tpu.memory_space<vmem>>
    %dma_start3A_98 = tpu.memref_squeeze %dma_start3A_97 : memref<1x256xi32, #tpu.memory_space<vmem>> -> memref<256xi32, #tpu.memory_space<vmem>>
    %dma_start3A_99 = arith.constant 0 : i32
    %dma_start3A_100 = arith.constant 0 : i32
    %dma_start3A_101 = tpu.memref_slice %arg3[%dma_start3A_99, %dma_start3A_100] : memref<1000000x64xf32, #tpu.memory_space<hbm>> -> memref<1000000x64xf32, #tpu.memory_space<hbm>>
    tpu.enqueue_indirect_dma source(%dma_start3A_101 : memref<1000000x64xf32, #tpu.memory_space<hbm>>) target(%dma_start3A_95 : memref<256x64xf32, #tpu.memory_space<vmem>>) offsets(%dma_start3A_98 : memref<256xi32, #tpu.memory_space<vmem>>) semaphore(%arg13 : memref<!tpu.dma_semaphore, #tpu.memory_space<semaphore_mem>>)
    %dma_wait3A_102 = arith.constant 2 : i32
    %dma_wait3A_103 = arith.constant 0 : i32
    %dma_wait3A_104 = tpu.memref_slice %arg5[%dma_wait3A_102, %dma_wait3A_103] : memref<5x256xi32, #tpu.memory_space<vmem>> -> memref<1x256xi32, #tpu.memory_space<vmem>>
    %dma_wait3A_105 = tpu.memref_squeeze %dma_wait3A_104 : memref<1x256xi32, #tpu.memory_space<vmem>> -> memref<256xi32, #tpu.memory_space<vmem>>
    %dma_wait3A_106 = arith.constant 0 : i32
    %dma_wait3A_107 = tpu.memref_slice %arg2[%dma_wait3A_106] : memref<819200xi32, #tpu.memory_space<hbm>> -> memref<256xi32, #tpu.memory_space<hbm>>
    %dma_wait3A_108 = arith.constant 0 : i32
    %dma_wait3A_109 = tpu.memref_slice %arg5[%dma_wait3A_102, %dma_wait3A_108] : memref<5x256xi32, #tpu.memory_space<vmem>> -> memref<1x256xi32, #tpu.memory_space<vmem>>
    %dma_wait3A_110 = tpu.memref_squeeze %dma_wait3A_109 : memref<1x256xi32, #tpu.memory_space<vmem>> -> memref<256xi32, #tpu.memory_space<vmem>>
    %dma_wait3A_111 = arith.constant 0 : i32
    %dma_wait3A_112 = tpu.memref_slice %arg2[%dma_wait3A_111] : memref<819200xi32, #tpu.memory_space<hbm>> -> memref<256xi32, #tpu.memory_space<hbm>>
    tpu.wait_dma2 semaphore(%arg9 : memref<!tpu.dma_semaphore, #tpu.memory_space<semaphore_mem>>) src(%dma_wait3A_112 : memref<256xi32, #tpu.memory_space<hbm>>) dst(%dma_wait3A_110 : memref<256xi32, #tpu.memory_space<vmem>>)
    %dma_start3A_113 = arith.constant 2 : i32
    %dma_start3A_114 = arith.constant 2 : i32
    %dma_start3A_115 = arith.constant 0 : i32
    %dma_start3A_116 = arith.constant 0 : i32
    %dma_start3A_117 = tpu.memref_slice %arg6[%dma_start3A_114, %dma_start3A_115, %dma_start3A_116] : memref<5x256x64xf32, #tpu.memory_space<vmem>> -> memref<1x256x64xf32, #tpu.memory_space<vmem>>
    %dma_start3A_118 = tpu.memref_squeeze %dma_start3A_117 : memref<1x256x64xf32, #tpu.memory_space<vmem>> -> memref<256x64xf32, #tpu.memory_space<vmem>>
    %dma_start3A_119 = arith.constant 0 : i32
    %dma_start3A_120 = tpu.memref_slice %arg5[%dma_start3A_113, %dma_start3A_119] : memref<5x256xi32, #tpu.memory_space<vmem>> -> memref<1x256xi32, #tpu.memory_space<vmem>>
    %dma_start3A_121 = tpu.memref_squeeze %dma_start3A_120 : memref<1x256xi32, #tpu.memory_space<vmem>> -> memref<256xi32, #tpu.memory_space<vmem>>
    %dma_start3A_122 = arith.constant 0 : i32
    %dma_start3A_123 = arith.constant 0 : i32
    %dma_start3A_124 = tpu.memref_slice %arg3[%dma_start3A_122, %dma_start3A_123] : memref<1000000x64xf32, #tpu.memory_space<hbm>> -> memref<1000000x64xf32, #tpu.memory_space<hbm>>
    tpu.enqueue_indirect_dma source(%dma_start3A_124 : memref<1000000x64xf32, #tpu.memory_space<hbm>>) target(%dma_start3A_118 : memref<256x64xf32, #tpu.memory_space<vmem>>) offsets(%dma_start3A_121 : memref<256xi32, #tpu.memory_space<vmem>>) semaphore(%arg14 : memref<!tpu.dma_semaphore, #tpu.memory_space<semaphore_mem>>)
    %dma_wait3A_125 = arith.constant 3 : i32
    %dma_wait3A_126 = arith.constant 0 : i32
    %dma_wait3A_127 = tpu.memref_slice %arg5[%dma_wait3A_125, %dma_wait3A_126] : memref<5x256xi32, #tpu.memory_space<vmem>> -> memref<1x256xi32, #tpu.memory_space<vmem>>
    %dma_wait3A_128 = tpu.memref_squeeze %dma_wait3A_127 : memref<1x256xi32, #tpu.memory_space<vmem>> -> memref<256xi32, #tpu.memory_space<vmem>>
    %dma_wait3A_129 = arith.constant 0 : i32
    %dma_wait3A_130 = tpu.memref_slice %arg2[%dma_wait3A_129] : memref<819200xi32, #tpu.memory_space<hbm>> -> memref<256xi32, #tpu.memory_space<hbm>>
    %dma_wait3A_131 = arith.constant 0 : i32
    %dma_wait3A_132 = tpu.memref_slice %arg5[%dma_wait3A_125, %dma_wait3A_131] : memref<5x256xi32, #tpu.memory_space<vmem>> -> memref<1x256xi32, #tpu.memory_space<vmem>>
    %dma_wait3A_133 = tpu.memref_squeeze %dma_wait3A_132 : memref<1x256xi32, #tpu.memory_space<vmem>> -> memref<256xi32, #tpu.memory_space<vmem>>
    %dma_wait3A_134 = arith.constant 0 : i32
    %dma_wait3A_135 = tpu.memref_slice %arg2[%dma_wait3A_134] : memref<819200xi32, #tpu.memory_space<hbm>> -> memref<256xi32, #tpu.memory_space<hbm>>
    tpu.wait_dma2 semaphore(%arg10 : memref<!tpu.dma_semaphore, #tpu.memory_space<semaphore_mem>>) src(%dma_wait3A_135 : memref<256xi32, #tpu.memory_space<hbm>>) dst(%dma_wait3A_133 : memref<256xi32, #tpu.memory_space<vmem>>)
    %dma_start3A_136 = arith.constant 3 : i32
    %dma_start3A_137 = arith.constant 3 : i32
    %dma_start3A_138 = arith.constant 0 : i32
    %dma_start3A_139 = arith.constant 0 : i32
    %dma_start3A_140 = tpu.memref_slice %arg6[%dma_start3A_137, %dma_start3A_138, %dma_start3A_139] : memref<5x256x64xf32, #tpu.memory_space<vmem>> -> memref<1x256x64xf32, #tpu.memory_space<vmem>>
    %dma_start3A_141 = tpu.memref_squeeze %dma_start3A_140 : memref<1x256x64xf32, #tpu.memory_space<vmem>> -> memref<256x64xf32, #tpu.memory_space<vmem>>
    %dma_start3A_142 = arith.constant 0 : i32
    %dma_start3A_143 = tpu.memref_slice %arg5[%dma_start3A_136, %dma_start3A_142] : memref<5x256xi32, #tpu.memory_space<vmem>> -> memref<1x256xi32, #tpu.memory_space<vmem>>
    %dma_start3A_144 = tpu.memref_squeeze %dma_start3A_143 : memref<1x256xi32, #tpu.memory_space<vmem>> -> memref<256xi32, #tpu.memory_space<vmem>>
    %dma_start3A_145 = arith.constant 0 : i32
    %dma_start3A_146 = arith.constant 0 : i32
    %dma_start3A_147 = tpu.memref_slice %arg3[%dma_start3A_145, %dma_start3A_146] : memref<1000000x64xf32, #tpu.memory_space<hbm>> -> memref<1000000x64xf32, #tpu.memory_space<hbm>>
    tpu.enqueue_indirect_dma source(%dma_start3A_147 : memref<1000000x64xf32, #tpu.memory_space<hbm>>) target(%dma_start3A_141 : memref<256x64xf32, #tpu.memory_space<vmem>>) offsets(%dma_start3A_144 : memref<256xi32, #tpu.memory_space<vmem>>) semaphore(%arg15 : memref<!tpu.dma_semaphore, #tpu.memory_space<semaphore_mem>>)
    %scan3A = arith.constant 0 : i32
    %scan3A_148 = arith.constant 20 : i32
    %scan3A_149 = arith.addi %scan3A, %scan3A_148 : i32
    %scan3A_150 = arith.constant 1 : i32
    scf.for %scan3A_227 = %scan3A to %scan3A_149 step %scan3A_150  : i32 {
      %mul3A_228 = arith.constant 5 : i32
      %mul3A_229 = arith.muli %scan3A_227, %mul3A_228 : i32
      %add3A_230 = arith.constant 0 : i32
      %add3A_231 = arith.addi %mul3A_229, %add3A_230 : i32
      %dma_wait3A_232 = arith.constant 0 : i32
      %dma_wait3A_233 = arith.constant 0 : i32
      %dma_wait3A_234 = arith.constant 0 : i32
      %dma_wait3A_235 = tpu.memref_slice %arg6[%dma_wait3A_232, %dma_wait3A_233, %dma_wait3A_234] : memref<5x256x64xf32, #tpu.memory_space<vmem>> -> memref<1x256x64xf32, #tpu.memory_space<vmem>>
      %dma_wait3A_236 = tpu.memref_squeeze %dma_wait3A_235 : memref<1x256x64xf32, #tpu.memory_space<vmem>> -> memref<256x64xf32, #tpu.memory_space<vmem>>
      %dma_wait3A_237 = arith.constant 0 : i32
      %dma_wait3A_238 = arith.constant 0 : i32
      %dma_wait3A_239 = tpu.memref_slice %arg3[%dma_wait3A_237, %dma_wait3A_238] : memref<1000000x64xf32, #tpu.memory_space<hbm>> -> memref<256x64xf32, #tpu.memory_space<hbm>>
      %dma_wait3A_240 = arith.constant 0 : i32
      %dma_wait3A_241 = arith.constant 0 : i32
      %dma_wait3A_242 = tpu.memref_slice %arg6[%dma_wait3A_232, %dma_wait3A_240, %dma_wait3A_241] : memref<5x256x64xf32, #tpu.memory_space<vmem>> -> memref<1x256x64xf32, #tpu.memory_space<vmem>>
      %dma_wait3A_243 = tpu.memref_squeeze %dma_wait3A_242 : memref<1x256x64xf32, #tpu.memory_space<vmem>> -> memref<256x64xf32, #tpu.memory_space<vmem>>
      %dma_wait3A_244 = arith.constant 0 : i32
      %dma_wait3A_245 = arith.constant 0 : i32
      %dma_wait3A_246 = tpu.memref_slice %arg3[%dma_wait3A_244, %dma_wait3A_245] : memref<1000000x64xf32, #tpu.memory_space<hbm>> -> memref<256x64xf32, #tpu.memory_space<hbm>>
      tpu.wait_dma2 semaphore(%arg12 : memref<!tpu.dma_semaphore, #tpu.memory_space<semaphore_mem>>) src(%dma_wait3A_246 : memref<256x64xf32, #tpu.memory_space<hbm>>) dst(%dma_wait3A_243 : memref<256x64xf32, #tpu.memory_space<vmem>>)
      %add3A_247 = arith.constant 4 : i32
      %add3A_248 = arith.addi %add3A_231, %add3A_247 : i32
      %lt3A = arith.constant 100 : i32
      %lt3A_249 = arith.cmpi slt, %add3A_248, %lt3A : i32
      %convert_element_type3A = arith.extui %lt3A_249 : i1 to i32
      %cond3A = arith.constant 0 : i32
      %cond3A_250 = arith.cmpi ne, %convert_element_type3A, %cond3A : i32
      scf.if %cond3A_250 {
        %dma_wait3A_449 = arith.constant 4 : i32
        %dma_wait3A_450 = arith.constant 0 : i32
        %dma_wait3A_451 = tpu.memref_slice %arg5[%dma_wait3A_449, %dma_wait3A_450] : memref<5x256xi32, #tpu.memory_space<vmem>> -> memref<1x256xi32, #tpu.memory_space<vmem>>
        %dma_wait3A_452 = tpu.memref_squeeze %dma_wait3A_451 : memref<1x256xi32, #tpu.memory_space<vmem>> -> memref<256xi32, #tpu.memory_space<vmem>>
        %dma_wait3A_453 = arith.constant 0 : i32
        %dma_wait3A_454 = tpu.memref_slice %arg2[%dma_wait3A_453] : memref<819200xi32, #tpu.memory_space<hbm>> -> memref<256xi32, #tpu.memory_space<hbm>>
        %dma_wait3A_455 = arith.constant 0 : i32
        %dma_wait3A_456 = tpu.memref_slice %arg5[%dma_wait3A_449, %dma_wait3A_455] : memref<5x256xi32, #tpu.memory_space<vmem>> -> memref<1x256xi32, #tpu.memory_space<vmem>>
        %dma_wait3A_457 = tpu.memref_squeeze %dma_wait3A_456 : memref<1x256xi32, #tpu.memory_space<vmem>> -> memref<256xi32, #tpu.memory_space<vmem>>
        %dma_wait3A_458 = arith.constant 0 : i32
        %dma_wait3A_459 = tpu.memref_slice %arg2[%dma_wait3A_458] : memref<819200xi32, #tpu.memory_space<hbm>> -> memref<256xi32, #tpu.memory_space<hbm>>
        tpu.wait_dma2 semaphore(%arg11 : memref<!tpu.dma_semaphore, #tpu.memory_space<semaphore_mem>>) src(%dma_wait3A_459 : memref<256xi32, #tpu.memory_space<hbm>>) dst(%dma_wait3A_457 : memref<256xi32, #tpu.memory_space<vmem>>)
        %ge3A = arith.constant 1 : i32
        %ge3A_460 = arith.cmpi sge, %add3A_231, %ge3A : i32
        %convert_element_type3A_461 = arith.extui %ge3A_460 : i1 to i32
        %cond3A_462 = arith.constant 0 : i32
        %cond3A_463 = arith.cmpi ne, %convert_element_type3A_461, %cond3A_462 : i32
        scf.if %cond3A_463 {
          %dma_wait3A_485 = arith.constant 4 : i32
          %dma_wait3A_486 = arith.constant 0 : i32
          %dma_wait3A_487 = arith.constant 0 : i32
          %dma_wait3A_488 = tpu.memref_slice %arg6[%dma_wait3A_485, %dma_wait3A_486, %dma_wait3A_487] : memref<5x256x64xf32, #tpu.memory_space<vmem>> -> memref<1x256x64xf32, #tpu.memory_space<vmem>>
          %dma_wait3A_489 = tpu.memref_squeeze %dma_wait3A_488 : memref<1x256x64xf32, #tpu.memory_space<vmem>> -> memref<256x64xf32, #tpu.memory_space<vmem>>
          %dma_wait3A_490 = arith.constant 0 : i32
          %dma_wait3A_491 = arith.constant 0 : i32
          %dma_wait3A_492 = tpu.memref_slice %arg4[%dma_wait3A_490, %dma_wait3A_491] : memref<819200x64xf32, #tpu.memory_space<hbm>> -> memref<256x64xf32, #tpu.memory_space<hbm>>
          %dma_wait3A_493 = arith.constant 0 : i32
          %dma_wait3A_494 = arith.constant 0 : i32
          %dma_wait3A_495 = tpu.memref_slice %arg4[%dma_wait3A_493, %dma_wait3A_494] : memref<819200x64xf32, #tpu.memory_space<hbm>> -> memref<256x64xf32, #tpu.memory_space<hbm>>
          %dma_wait3A_496 = arith.constant 0 : i32
          %dma_wait3A_497 = arith.constant 0 : i32
          %dma_wait3A_498 = tpu.memref_slice %arg6[%dma_wait3A_485, %dma_wait3A_496, %dma_wait3A_497] : memref<5x256x64xf32, #tpu.memory_space<vmem>> -> memref<1x256x64xf32, #tpu.memory_space<vmem>>
          %dma_wait3A_499 = tpu.memref_squeeze %dma_wait3A_498 : memref<1x256x64xf32, #tpu.memory_space<vmem>> -> memref<256x64xf32, #tpu.memory_space<vmem>>
          tpu.wait_dma2 semaphore(%arg21 : memref<!tpu.dma_semaphore, #tpu.memory_space<semaphore_mem>>) src(%dma_wait3A_499 : memref<256x64xf32, #tpu.memory_space<vmem>>) dst(%dma_wait3A_495 : memref<256x64xf32, #tpu.memory_space<hbm>>)
        } else {
        }
        %dma_start3A_464 = arith.constant 4 : i32
        %dma_start3A_465 = arith.constant 4 : i32
        %dma_start3A_466 = arith.constant 0 : i32
        %dma_start3A_467 = arith.constant 0 : i32
        %dma_start3A_468 = tpu.memref_slice %arg6[%dma_start3A_465, %dma_start3A_466, %dma_start3A_467] : memref<5x256x64xf32, #tpu.memory_space<vmem>> -> memref<1x256x64xf32, #tpu.memory_space<vmem>>
        %dma_start3A_469 = tpu.memref_squeeze %dma_start3A_468 : memref<1x256x64xf32, #tpu.memory_space<vmem>> -> memref<256x64xf32, #tpu.memory_space<vmem>>
        %dma_start3A_470 = arith.constant 0 : i32
        %dma_start3A_471 = tpu.memref_slice %arg5[%dma_start3A_464, %dma_start3A_470] : memref<5x256xi32, #tpu.memory_space<vmem>> -> memref<1x256xi32, #tpu.memory_space<vmem>>
        %dma_start3A_472 = tpu.memref_squeeze %dma_start3A_471 : memref<1x256xi32, #tpu.memory_space<vmem>> -> memref<256xi32, #tpu.memory_space<vmem>>
        %dma_start3A_473 = arith.constant 0 : i32
        %dma_start3A_474 = arith.constant 0 : i32
        %dma_start3A_475 = tpu.memref_slice %arg3[%dma_start3A_473, %dma_start3A_474] : memref<1000000x64xf32, #tpu.memory_space<hbm>> -> memref<1000000x64xf32, #tpu.memory_space<hbm>>
        tpu.enqueue_indirect_dma source(%dma_start3A_475 : memref<1000000x64xf32, #tpu.memory_space<hbm>>) target(%dma_start3A_469 : memref<256x64xf32, #tpu.memory_space<vmem>>) offsets(%dma_start3A_472 : memref<256xi32, #tpu.memory_space<vmem>>) semaphore(%arg16 : memref<!tpu.dma_semaphore, #tpu.memory_space<semaphore_mem>>)
        %add3A_476 = arith.constant 4 : i32
        %add3A_477 = arith.addi %add3A_231, %add3A_476 : i32
        %add3A_478 = arith.constant 1 : i32
        %add3A_479 = arith.addi %add3A_477, %add3A_478 : i32
        %lt3A_480 = arith.constant 100 : i32
        %lt3A_481 = arith.cmpi slt, %add3A_479, %lt3A_480 : i32
        %convert_element_type3A_482 = arith.extui %lt3A_481 : i1 to i32
        %cond3A_483 = arith.constant 0 : i32
        %cond3A_484 = arith.cmpi ne, %convert_element_type3A_482, %cond3A_483 : i32
        scf.if %cond3A_484 {
          %add3A_485 = arith.constant 4 : i32
          %add3A_486 = arith.addi %add3A_231, %add3A_485 : i32
          %add3A_487 = arith.constant 1 : i32
          %add3A_488 = arith.addi %add3A_486, %add3A_487 : i32
          %mul3A_489 = arith.constant 256 : i32
          %mul3A_490 = arith.muli %add3A_488, %mul3A_489 : i32
          %add3A_491 = arith.addi %mul3A_2, %mul3A_490 : i32
          %dma_start3A_492 = arith.constant 0 : i32
          %dma_start3A_493 = arith.constant 0 : i32
          %dma_start3A_494 = tpu.memref_slice %arg5[%dma_start3A_492, %dma_start3A_493] : memref<5x256xi32, #tpu.memory_space<vmem>> -> memref<1x256xi32, #tpu.memory_space<vmem>>
          %dma_start3A_495 = tpu.memref_squeeze %dma_start3A_494 : memref<1x256xi32, #tpu.memory_space<vmem>> -> memref<256xi32, #tpu.memory_space<vmem>>
          %dma_start3A_496 = tpu.memref_slice %arg2[%add3A_491] : memref<819200xi32, #tpu.memory_space<hbm>> -> memref<256xi32, #tpu.memory_space<hbm>>
          %dma_start3A_497 = arith.constant 0 : i32
          %dma_start3A_498 = tpu.memref_slice %arg5[%dma_start3A_492, %dma_start3A_497] : memref<5x256xi32, #tpu.memory_space<vmem>> -> memref<1x256xi32, #tpu.memory_space<vmem>>
          %dma_start3A_499 = tpu.memref_squeeze %dma_start3A_498 : memref<1x256xi32, #tpu.memory_space<vmem>> -> memref<256xi32, #tpu.memory_space<vmem>>
          %dma_start3A_500 = tpu.memref_slice %arg2[%add3A_491] : memref<819200xi32, #tpu.memory_space<hbm>> -> memref<256xi32, #tpu.memory_space<hbm>>
          tpu.enqueue_dma source(%dma_start3A_500 : memref<256xi32, #tpu.memory_space<hbm>>) target(%dma_start3A_499 : memref<256xi32, #tpu.memory_space<vmem>>) target_semaphore(%arg7 : memref<!tpu.dma_semaphore, #tpu.memory_space<semaphore_mem>>)
        } else {
        }
      } else {
      }
      %parallel_loop3A = arith.constant 0 : i32
      %parallel_loop3A_251 = arith.constant 256 : i32
      %parallel_loop3A_252 = arith.constant 1 : i32
      scf.for %parallel_loop3A_449 = %parallel_loop3A to %parallel_loop3A_251 step %parallel_loop3A_252  : i32 {
        %parallel_loop3A_450 = arith.constant 0 : i32
        %parallel_loop3A_451 = arith.index_cast %parallel_loop3A_450 : i32 to index
        %parallel_loop3A_452 = arith.index_cast %parallel_loop3A_449 : i32 to index
        %parallel_loop3A_453 = arith.constant 0 : index
        %parallel_loop3A_454 = tpu.vector_load %arg6[%parallel_loop3A_451, %parallel_loop3A_452, %parallel_loop3A_453] {strides = array<i32>} : memref<5x256x64xf32, #tpu.memory_space<vmem>>, vector<1x1x16xf32>,
        %parallel_loop3A_455 = vector.shape_cast %parallel_loop3A_454 : vector<1x1x16xf32> to vector<16xf32>
        %parallel_loop3A_456 = arith.constant 8.000000e+00 : f32
        %parallel_loop3A_457 = vector.broadcast %parallel_loop3A_456 : f32 to vector<16xf32>
        %parallel_loop3A_458 = arith.mulf %parallel_loop3A_455, %parallel_loop3A_457 : vector<16xf32>
        %parallel_loop3A_459 = arith.constant 0 : i32
        %parallel_loop3A_460 = arith.index_cast %parallel_loop3A_459 : i32 to index
        %parallel_loop3A_461 = arith.index_cast %parallel_loop3A_449 : i32 to index
        %parallel_loop3A_462 = arith.constant 0 : index
        %parallel_loop3A_463 = tpu.vector_load %arg6[%parallel_loop3A_460, %parallel_loop3A_461, %parallel_loop3A_462] {strides = array<i32>} : memref<5x256x64xf32, #tpu.memory_space<vmem>>, vector<1x1x16xf32>,
        %parallel_loop3A_464 = vector.shape_cast %parallel_loop3A_463 : vector<1x1x16xf32> to vector<16xf32>
        %parallel_loop3A_465 = vector.shape_cast %parallel_loop3A_458 : vector<16xf32> to vector<1x1x16xf32>
        tpu.vector_store %arg6[%parallel_loop3A_460, %parallel_loop3A_461, %parallel_loop3A_462], %parallel_loop3A_465 {strides = array<i32>} : memref<5x256x64xf32, #tpu.memory_space<vmem>>, vector<1x1x16xf32>,
        %parallel_loop3A_466 = arith.constant 0 : i32
        %parallel_loop3A_467 = arith.index_cast %parallel_loop3A_466 : i32 to index
        %parallel_loop3A_468 = arith.index_cast %parallel_loop3A_449 : i32 to index
        %parallel_loop3A_469 = arith.constant 16 : index
        %parallel_loop3A_470 = tpu.vector_load %arg6[%parallel_loop3A_467, %parallel_loop3A_468, %parallel_loop3A_469] {strides = array<i32>} : memref<5x256x64xf32, #tpu.memory_space<vmem>>, vector<1x1x16xf32>,
        %parallel_loop3A_471 = vector.shape_cast %parallel_loop3A_470 : vector<1x1x16xf32> to vector<16xf32>
        %parallel_loop3A_472 = arith.constant 8.000000e+00 : f32
        %parallel_loop3A_473 = vector.broadcast %parallel_loop3A_472 : f32 to vector<16xf32>
        %parallel_loop3A_474 = arith.mulf %parallel_loop3A_471, %parallel_loop3A_473 : vector<16xf32>
        %parallel_loop3A_475 = arith.constant 0 : i32
        %parallel_loop3A_476 = arith.index_cast %parallel_loop3A_475 : i32 to index
        %parallel_loop3A_477 = arith.index_cast %parallel_loop3A_449 : i32 to index
        %parallel_loop3A_478 = arith.constant 16 : index
        %parallel_loop3A_479 = tpu.vector_load %arg6[%parallel_loop3A_476, %parallel_loop3A_477, %parallel_loop3A_478] {strides = array<i32>} : memref<5x256x64xf32, #tpu.memory_space<vmem>>, vector<1x1x16xf32>,
        %parallel_loop3A_480 = vector.shape_cast %parallel_loop3A_479 : vector<1x1x16xf32> to vector<16xf32>
        %parallel_loop3A_481 = vector.shape_cast %parallel_loop3A_474 : vector<16xf32> to vector<1x1x16xf32>
        tpu.vector_store %arg6[%parallel_loop3A_476, %parallel_loop3A_477, %parallel_loop3A_478], %parallel_loop3A_481 {strides = array<i32>} : memref<5x256x64xf32, #tpu.memory_space<vmem>>, vector<1x1x16xf32>,
        %parallel_loop3A_482 = arith.constant 0 : i32
        %parallel_loop3A_483 = arith.index_cast %parallel_loop3A_482 : i32 to index
        %parallel_loop3A_484 = arith.index_cast %parallel_loop3A_449 : i32 to index
        %parallel_loop3A_485 = arith.constant 32 : index
        %parallel_loop3A_486 = tpu.vector_load %arg6[%parallel_loop3A_483, %parallel_loop3A_484, %parallel_loop3A_485] {strides = array<i32>} : memref<5x256x64xf32, #tpu.memory_space<vmem>>, vector<1x1x16xf32>,
        %parallel_loop3A_487 = vector.shape_cast %parallel_loop3A_486 : vector<1x1x16xf32> to vector<16xf32>
        %parallel_loop3A_488 = arith.constant 8.000000e+00 : f32
        %parallel_loop3A_489 = vector.broadcast %parallel_loop3A_488 : f32 to vector<16xf32>
        %parallel_loop3A_490 = arith.mulf %parallel_loop3A_487, %parallel_loop3A_489 : vector<16xf32>
        %parallel_loop3A_491 = arith.constant 0 : i32
        %parallel_loop3A_492 = arith.index_cast %parallel_loop3A_491 : i32 to index
        %parallel_loop3A_493 = arith.index_cast %parallel_loop3A_449 : i32 to index
        %parallel_loop3A_494 = arith.constant 32 : index
        %parallel_loop3A_495 = tpu.vector_load %arg6[%parallel_loop3A_492, %parallel_loop3A_493, %parallel_loop3A_494] {strides = array<i32>} : memref<5x256x64xf32, #tpu.memory_space<vmem>>, vector<1x1x16xf32>,
        %parallel_loop3A_496 = vector.shape_cast %parallel_loop3A_495 : vector<1x1x16xf32> to vector<16xf32>
        %parallel_loop3A_497 = vector.shape_cast %parallel_loop3A_490 : vector<16xf32> to vector<1x1x16xf32>
        tpu.vector_store %arg6[%parallel_loop3A_492, %parallel_loop3A_493, %parallel_loop3A_494], %parallel_loop3A_497 {strides = array<i32>} : memref<5x256x64xf32, #tpu.memory_space<vmem>>, vector<1x1x16xf32>,
        %parallel_loop3A_498 = arith.constant 0 : i32
        %parallel_loop3A_499 = arith.index_cast %parallel_loop3A_498 : i32 to index
        %parallel_loop3A_500 = arith.index_cast %parallel_loop3A_449 : i32 to index
        %parallel_loop3A_501 = arith.constant 48 : index
        %parallel_loop3A_502 = tpu.vector_load %arg6[%parallel_loop3A_499, %parallel_loop3A_500, %parallel_loop3A_501] {strides = array<i32>} : memref<5x256x64xf32, #tpu.memory_space<vmem>>, vector<1x1x16xf32>,
        %parallel_loop3A_503 = vector.shape_cast %parallel_loop3A_502 : vector<1x1x16xf32> to vector<16xf32>
        %parallel_loop3A_504 = arith.constant 8.000000e+00 : f32
        %parallel_loop3A_505 = vector.broadcast %parallel_loop3A_504 : f32 to vector<16xf32>
        %parallel_loop3A_506 = arith.mulf %parallel_loop3A_503, %parallel_loop3A_505 : vector<16xf32>
        %parallel_loop3A_507 = arith.constant 0 : i32
        %parallel_loop3A_508 = arith.index_cast %parallel_loop3A_507 : i32 to index
        %parallel_loop3A_509 = arith.index_cast %parallel_loop3A_449 : i32 to index
        %parallel_loop3A_510 = arith.constant 48 : index
        %parallel_loop3A_511 = tpu.vector_load %arg6[%parallel_loop3A_508, %parallel_loop3A_509, %parallel_loop3A_510] {strides = array<i32>} : memref<5x256x64xf32, #tpu.memory_space<vmem>>, vector<1x1x16xf32>,
        %parallel_loop3A_512 = vector.shape_cast %parallel_loop3A_511 : vector<1x1x16xf32> to vector<16xf32>
        %parallel_loop3A_513 = vector.shape_cast %parallel_loop3A_506 : vector<16xf32> to vector<1x1x16xf32>
        tpu.vector_store %arg6[%parallel_loop3A_508, %parallel_loop3A_509, %parallel_loop3A_510], %parallel_loop3A_513 {strides = array<i32>} : memref<5x256x64xf32, #tpu.memory_space<vmem>>, vector<1x1x16xf32>,
      } {sc.loop_unroll_factor = 8 : i64, sc.parallel_access}
      %mul3A_253 = arith.constant 256 : i32
      %mul3A_254 = arith.muli %add3A_231, %mul3A_253 : i32
      %add3A_255 = arith.addi %mul3A_2, %mul3A_254 : i32
      %dma_start3A_256 = arith.constant 0 : i32
      %dma_start3A_257 = arith.constant 0 : i32
      %dma_start3A_258 = arith.constant 0 : i32
      %dma_start3A_259 = tpu.memref_slice %arg6[%dma_start3A_256, %dma_start3A_257, %dma_start3A_258] : memref<5x256x64xf32, #tpu.memory_space<vmem>> -> memref<1x256x64xf32, #tpu.memory_space<vmem>>
      %dma_start3A_260 = tpu.memref_squeeze %dma_start3A_259 : memref<1x256x64xf32, #tpu.memory_space<vmem>> -> memref<256x64xf32, #tpu.memory_space<vmem>>
      %dma_start3A_261 = arith.constant 0 : i32
      %dma_start3A_262 = tpu.memref_slice %arg4[%add3A_255, %dma_start3A_261] : memref<819200x64xf32, #tpu.memory_space<hbm>> -> memref<256x64xf32, #tpu.memory_space<hbm>>
      %dma_start3A_263 = arith.constant 0 : i32
      %dma_start3A_264 = tpu.memref_slice %arg4[%add3A_255, %dma_start3A_263] : memref<819200x64xf32, #tpu.memory_space<hbm>> -> memref<256x64xf32, #tpu.memory_space<hbm>>
      %dma_start3A_265 = arith.constant 0 : i32
      %dma_start3A_266 = arith.constant 0 : i32
      %dma_start3A_267 = tpu.memref_slice %arg6[%dma_start3A_256, %dma_start3A_265, %dma_start3A_266] : memref<5x256x64xf32, #tpu.memory_space<vmem>> -> memref<1x256x64xf32, #tpu.memory_space<vmem>>
      %dma_start3A_268 = tpu.memref_squeeze %dma_start3A_267 : memref<1x256x64xf32, #tpu.memory_space<vmem>> -> memref<256x64xf32, #tpu.memory_space<vmem>>
      tpu.enqueue_dma source(%dma_start3A_268 : memref<256x64xf32, #tpu.memory_space<vmem>>) target(%dma_start3A_264 : memref<256x64xf32, #tpu.memory_space<hbm>>) target_semaphore(%arg17 : memref<!tpu.dma_semaphore, #tpu.memory_space<semaphore_mem>>)
      %mul3A_269 = arith.constant 5 : i32
      %mul3A_270 = arith.muli %scan3A_227, %mul3A_269 : i32
      %add3A_271 = arith.constant 1 : i32
      %add3A_272 = arith.addi %mul3A_270, %add3A_271 : i32
      %dma_wait3A_273 = arith.constant 1 : i32
      %dma_wait3A_274 = arith.constant 0 : i32
      %dma_wait3A_275 = arith.constant 0 : i32
      %dma_wait3A_276 = tpu.memref_slice %arg6[%dma_wait3A_273, %dma_wait3A_274, %dma_wait3A_275] : memref<5x256x64xf32, #tpu.memory_space<vmem>> -> memref<1x256x64xf32, #tpu.memory_space<vmem>>
      %dma_wait3A_277 = tpu.memref_squeeze %dma_wait3A_276 : memref<1x256x64xf32, #tpu.memory_space<vmem>> -> memref<256x64xf32, #tpu.memory_space<vmem>>
      %dma_wait3A_278 = arith.constant 0 : i32
      %dma_wait3A_279 = arith.constant 0 : i32
      %dma_wait3A_280 = tpu.memref_slice %arg3[%dma_wait3A_278, %dma_wait3A_279] : memref<1000000x64xf32, #tpu.memory_space<hbm>> -> memref<256x64xf32, #tpu.memory_space<hbm>>
      %dma_wait3A_281 = arith.constant 0 : i32
      %dma_wait3A_282 = arith.constant 0 : i32
      %dma_wait3A_283 = tpu.memref_slice %arg6[%dma_wait3A_273, %dma_wait3A_281, %dma_wait3A_282] : memref<5x256x64xf32, #tpu.memory_space<vmem>> -> memref<1x256x64xf32, #tpu.memory_space<vmem>>
      %dma_wait3A_284 = tpu.memref_squeeze %dma_wait3A_283 : memref<1x256x64xf32, #tpu.memory_space<vmem>> -> memref<256x64xf32, #tpu.memory_space<vmem>>
      %dma_wait3A_285 = arith.constant 0 : i32
      %dma_wait3A_286 = arith.constant 0 : i32
      %dma_wait3A_287 = tpu.memref_slice %arg3[%dma_wait3A_285, %dma_wait3A_286] : memref<1000000x64xf32, #tpu.memory_space<hbm>> -> memref<256x64xf32, #tpu.memory_space<hbm>>
      tpu.wait_dma2 semaphore(%arg13 : memref<!tpu.dma_semaphore, #tpu.memory_space<semaphore_mem>>) src(%dma_wait3A_287 : memref<256x64xf32, #tpu.memory_space<hbm>>) dst(%dma_wait3A_284 : memref<256x64xf32, #tpu.memory_space<vmem>>)
      %add3A_288 = arith.constant 4 : i32
      %add3A_289 = arith.addi %add3A_272, %add3A_288 : i32
      %lt3A_290 = arith.constant 100 : i32
      %lt3A_291 = arith.cmpi slt, %add3A_289, %lt3A_290 : i32
      %convert_element_type3A_292 = arith.extui %lt3A_291 : i1 to i32
      %cond3A_293 = arith.constant 0 : i32
      %cond3A_294 = arith.cmpi ne, %convert_element_type3A_292, %cond3A_293 : i32
      scf.if %cond3A_294 {
        %dma_wait3A_449 = arith.constant 0 : i32
        %dma_wait3A_450 = arith.constant 0 : i32
        %dma_wait3A_451 = tpu.memref_slice %arg5[%dma_wait3A_449, %dma_wait3A_450] : memref<5x256xi32, #tpu.memory_space<vmem>> -> memref<1x256xi32, #tpu.memory_space<vmem>>
        %dma_wait3A_452 = tpu.memref_squeeze %dma_wait3A_451 : memref<1x256xi32, #tpu.memory_space<vmem>> -> memref<256xi32, #tpu.memory_space<vmem>>
        %dma_wait3A_453 = arith.constant 0 : i32
        %dma_wait3A_454 = tpu.memref_slice %arg2[%dma_wait3A_453] : memref<819200xi32, #tpu.memory_space<hbm>> -> memref<256xi32, #tpu.memory_space<hbm>>
        %dma_wait3A_455 = arith.constant 0 : i32
        %dma_wait3A_456 = tpu.memref_slice %arg5[%dma_wait3A_449, %dma_wait3A_455] : memref<5x256xi32, #tpu.memory_space<vmem>> -> memref<1x256xi32, #tpu.memory_space<vmem>>
        %dma_wait3A_457 = tpu.memref_squeeze %dma_wait3A_456 : memref<1x256xi32, #tpu.memory_space<vmem>> -> memref<256xi32, #tpu.memory_space<vmem>>
        %dma_wait3A_458 = arith.constant 0 : i32
        %dma_wait3A_459 = tpu.memref_slice %arg2[%dma_wait3A_458] : memref<819200xi32, #tpu.memory_space<hbm>> -> memref<256xi32, #tpu.memory_space<hbm>>
        tpu.wait_dma2 semaphore(%arg7 : memref<!tpu.dma_semaphore, #tpu.memory_space<semaphore_mem>>) src(%dma_wait3A_459 : memref<256xi32, #tpu.memory_space<hbm>>) dst(%dma_wait3A_457 : memref<256xi32, #tpu.memory_space<vmem>>)
        %ge3A = arith.constant 1 : i32
        %ge3A_460 = arith.cmpi sge, %add3A_272, %ge3A : i32
        %convert_element_type3A_461 = arith.extui %ge3A_460 : i1 to i32
        %cond3A_462 = arith.constant 0 : i32
        %cond3A_463 = arith.cmpi ne, %convert_element_type3A_461, %cond3A_462 : i32
        scf.if %cond3A_463 {
          %dma_wait3A_485 = arith.constant 0 : i32
          %dma_wait3A_486 = arith.constant 0 : i32
          %dma_wait3A_487 = arith.constant 0 : i32
          %dma_wait3A_488 = tpu.memref_slice %arg6[%dma_wait3A_485, %dma_wait3A_486, %dma_wait3A_487] : memref<5x256x64xf32, #tpu.memory_space<vmem>> -> memref<1x256x64xf32, #tpu.memory_space<vmem>>
          %dma_wait3A_489 = tpu.memref_squeeze %dma_wait3A_488 : memref<1x256x64xf32, #tpu.memory_space<vmem>> -> memref<256x64xf32, #tpu.memory_space<vmem>>
          %dma_wait3A_490 = arith.constant 0 : i32
          %dma_wait3A_491 = arith.constant 0 : i32
          %dma_wait3A_492 = tpu.memref_slice %arg4[%dma_wait3A_490, %dma_wait3A_491] : memref<819200x64xf32, #tpu.memory_space<hbm>> -> memref<256x64xf32, #tpu.memory_space<hbm>>
          %dma_wait3A_493 = arith.constant 0 : i32
          %dma_wait3A_494 = arith.constant 0 : i32
          %dma_wait3A_495 = tpu.memref_slice %arg4[%dma_wait3A_493, %dma_wait3A_494] : memref<819200x64xf32, #tpu.memory_space<hbm>> -> memref<256x64xf32, #tpu.memory_space<hbm>>
          %dma_wait3A_496 = arith.constant 0 : i32
          %dma_wait3A_497 = arith.constant 0 : i32
          %dma_wait3A_498 = tpu.memref_slice %arg6[%dma_wait3A_485, %dma_wait3A_496, %dma_wait3A_497] : memref<5x256x64xf32, #tpu.memory_space<vmem>> -> memref<1x256x64xf32, #tpu.memory_space<vmem>>
          %dma_wait3A_499 = tpu.memref_squeeze %dma_wait3A_498 : memref<1x256x64xf32, #tpu.memory_space<vmem>> -> memref<256x64xf32, #tpu.memory_space<vmem>>
          tpu.wait_dma2 semaphore(%arg17 : memref<!tpu.dma_semaphore, #tpu.memory_space<semaphore_mem>>) src(%dma_wait3A_499 : memref<256x64xf32, #tpu.memory_space<vmem>>) dst(%dma_wait3A_495 : memref<256x64xf32, #tpu.memory_space<hbm>>)
        } else {
        }
        %dma_start3A_464 = arith.constant 0 : i32
        %dma_start3A_465 = arith.constant 0 : i32
        %dma_start3A_466 = arith.constant 0 : i32
        %dma_start3A_467 = arith.constant 0 : i32
        %dma_start3A_468 = tpu.memref_slice %arg6[%dma_start3A_465, %dma_start3A_466, %dma_start3A_467] : memref<5x256x64xf32, #tpu.memory_space<vmem>> -> memref<1x256x64xf32, #tpu.memory_space<vmem>>
        %dma_start3A_469 = tpu.memref_squeeze %dma_start3A_468 : memref<1x256x64xf32, #tpu.memory_space<vmem>> -> memref<256x64xf32, #tpu.memory_space<vmem>>
        %dma_start3A_470 = arith.constant 0 : i32
        %dma_start3A_471 = tpu.memref_slice %arg5[%dma_start3A_464, %dma_start3A_470] : memref<5x256xi32, #tpu.memory_space<vmem>> -> memref<1x256xi32, #tpu.memory_space<vmem>>
        %dma_start3A_472 = tpu.memref_squeeze %dma_start3A_471 : memref<1x256xi32, #tpu.memory_space<vmem>> -> memref<256xi32, #tpu.memory_space<vmem>>
        %dma_start3A_473 = arith.constant 0 : i32
        %dma_start3A_474 = arith.constant 0 : i32
        %dma_start3A_475 = tpu.memref_slice %arg3[%dma_start3A_473, %dma_start3A_474] : memref<1000000x64xf32, #tpu.memory_space<hbm>> -> memref<1000000x64xf32, #tpu.memory_space<hbm>>
        tpu.enqueue_indirect_dma source(%dma_start3A_475 : memref<1000000x64xf32, #tpu.memory_space<hbm>>) target(%dma_start3A_469 : memref<256x64xf32, #tpu.memory_space<vmem>>) offsets(%dma_start3A_472 : memref<256xi32, #tpu.memory_space<vmem>>) semaphore(%arg12 : memref<!tpu.dma_semaphore, #tpu.memory_space<semaphore_mem>>)
        %add3A_476 = arith.constant 4 : i32
        %add3A_477 = arith.addi %add3A_272, %add3A_476 : i32
        %add3A_478 = arith.constant 1 : i32
        %add3A_479 = arith.addi %add3A_477, %add3A_478 : i32
        %lt3A_480 = arith.constant 100 : i32
        %lt3A_481 = arith.cmpi slt, %add3A_479, %lt3A_480 : i32
        %convert_element_type3A_482 = arith.extui %lt3A_481 : i1 to i32
        %cond3A_483 = arith.constant 0 : i32
        %cond3A_484 = arith.cmpi ne, %convert_element_type3A_482, %cond3A_483 : i32
        scf.if %cond3A_484 {
          %add3A_485 = arith.constant 4 : i32
          %add3A_486 = arith.addi %add3A_272, %add3A_485 : i32
          %add3A_487 = arith.constant 1 : i32
          %add3A_488 = arith.addi %add3A_486, %add3A_487 : i32
          %mul3A_489 = arith.constant 256 : i32
          %mul3A_490 = arith.muli %add3A_488, %mul3A_489 : i32
          %add3A_491 = arith.addi %mul3A_2, %mul3A_490 : i32
          %dma_start3A_492 = arith.constant 1 : i32
          %dma_start3A_493 = arith.constant 0 : i32
          %dma_start3A_494 = tpu.memref_slice %arg5[%dma_start3A_492, %dma_start3A_493] : memref<5x256xi32, #tpu.memory_space<vmem>> -> memref<1x256xi32, #tpu.memory_space<vmem>>
          %dma_start3A_495 = tpu.memref_squeeze %dma_start3A_494 : memref<1x256xi32, #tpu.memory_space<vmem>> -> memref<256xi32, #tpu.memory_space<vmem>>
          %dma_start3A_496 = tpu.memref_slice %arg2[%add3A_491] : memref<819200xi32, #tpu.memory_space<hbm>> -> memref<256xi32, #tpu.memory_space<hbm>>
          %dma_start3A_497 = arith.constant 0 : i32
          %dma_start3A_498 = tpu.memref_slice %arg5[%dma_start3A_492, %dma_start3A_497] : memref<5x256xi32, #tpu.memory_space<vmem>> -> memref<1x256xi32, #tpu.memory_space<vmem>>
          %dma_start3A_499 = tpu.memref_squeeze %dma_start3A_498 : memref<1x256xi32, #tpu.memory_space<vmem>> -> memref<256xi32, #tpu.memory_space<vmem>>
          %dma_start3A_500 = tpu.memref_slice %arg2[%add3A_491] : memref<819200xi32, #tpu.memory_space<hbm>> -> memref<256xi32, #tpu.memory_space<hbm>>
          tpu.enqueue_dma source(%dma_start3A_500 : memref<256xi32, #tpu.memory_space<hbm>>) target(%dma_start3A_499 : memref<256xi32, #tpu.memory_space<vmem>>) target_semaphore(%arg8 : memref<!tpu.dma_semaphore, #tpu.memory_space<semaphore_mem>>)
        } else {
        }
      } else {
      }
      %parallel_loop3A_295 = arith.constant 0 : i32
      %parallel_loop3A_296 = arith.constant 256 : i32
      %parallel_loop3A_297 = arith.constant 1 : i32
      scf.for %parallel_loop3A_449 = %parallel_loop3A_295 to %parallel_loop3A_296 step %parallel_loop3A_297  : i32 {
        %parallel_loop3A_450 = arith.constant 1 : i32
        %parallel_loop3A_451 = arith.index_cast %parallel_loop3A_450 : i32 to index
        %parallel_loop3A_452 = arith.index_cast %parallel_loop3A_449 : i32 to index
        %parallel_loop3A_453 = arith.constant 0 : index
        %parallel_loop3A_454 = tpu.vector_load %arg6[%parallel_loop3A_451, %parallel_loop3A_452, %parallel_loop3A_453] {strides = array<i32>} : memref<5x256x64xf32, #tpu.memory_space<vmem>>, vector<1x1x16xf32>,
        %parallel_loop3A_455 = vector.shape_cast %parallel_loop3A_454 : vector<1x1x16xf32> to vector<16xf32>
        %parallel_loop3A_456 = arith.constant 8.000000e+00 : f32
        %parallel_loop3A_457 = vector.broadcast %parallel_loop3A_456 : f32 to vector<16xf32>
        %parallel_loop3A_458 = arith.mulf %parallel_loop3A_455, %parallel_loop3A_457 : vector<16xf32>
        %parallel_loop3A_459 = arith.constant 1 : i32
        %parallel_loop3A_460 = arith.index_cast %parallel_loop3A_459 : i32 to index
        %parallel_loop3A_461 = arith.index_cast %parallel_loop3A_449 : i32 to index
        %parallel_loop3A_462 = arith.constant 0 : index
        %parallel_loop3A_463 = tpu.vector_load %arg6[%parallel_loop3A_460, %parallel_loop3A_461, %parallel_loop3A_462] {strides = array<i32>} : memref<5x256x64xf32, #tpu.memory_space<vmem>>, vector<1x1x16xf32>,
        %parallel_loop3A_464 = vector.shape_cast %parallel_loop3A_463 : vector<1x1x16xf32> to vector<16xf32>
        %parallel_loop3A_465 = vector.shape_cast %parallel_loop3A_458 : vector<16xf32> to vector<1x1x16xf32>
        tpu.vector_store %arg6[%parallel_loop3A_460, %parallel_loop3A_461, %parallel_loop3A_462], %parallel_loop3A_465 {strides = array<i32>} : memref<5x256x64xf32, #tpu.memory_space<vmem>>, vector<1x1x16xf32>,
        %parallel_loop3A_466 = arith.constant 1 : i32
        %parallel_loop3A_467 = arith.index_cast %parallel_loop3A_466 : i32 to index
        %parallel_loop3A_468 = arith.index_cast %parallel_loop3A_449 : i32 to index
        %parallel_loop3A_469 = arith.constant 16 : index
        %parallel_loop3A_470 = tpu.vector_load %arg6[%parallel_loop3A_467, %parallel_loop3A_468, %parallel_loop3A_469] {strides = array<i32>} : memref<5x256x64xf32, #tpu.memory_space<vmem>>, vector<1x1x16xf32>,
        %parallel_loop3A_471 = vector.shape_cast %parallel_loop3A_470 : vector<1x1x16xf32> to vector<16xf32>
        %parallel_loop3A_472 = arith.constant 8.000000e+00 : f32
        %parallel_loop3A_473 = vector.broadcast %parallel_loop3A_472 : f32 to vector<16xf32>
        %parallel_loop3A_474 = arith.mulf %parallel_loop3A_471, %parallel_loop3A_473 : vector<16xf32>
        %parallel_loop3A_475 = arith.constant 1 : i32
        %parallel_loop3A_476 = arith.index_cast %parallel_loop3A_475 : i32 to index
        %parallel_loop3A_477 = arith.index_cast %parallel_loop3A_449 : i32 to index
        %parallel_loop3A_478 = arith.constant 16 : index
        %parallel_loop3A_479 = tpu.vector_load %arg6[%parallel_loop3A_476, %parallel_loop3A_477, %parallel_loop3A_478] {strides = array<i32>} : memref<5x256x64xf32, #tpu.memory_space<vmem>>, vector<1x1x16xf32>,
        %parallel_loop3A_480 = vector.shape_cast %parallel_loop3A_479 : vector<1x1x16xf32> to vector<16xf32>
        %parallel_loop3A_481 = vector.shape_cast %parallel_loop3A_474 : vector<16xf32> to vector<1x1x16xf32>
        tpu.vector_store %arg6[%parallel_loop3A_476, %parallel_loop3A_477, %parallel_loop3A_478], %parallel_loop3A_481 {strides = array<i32>} : memref<5x256x64xf32, #tpu.memory_space<vmem>>, vector<1x1x16xf32>,
        %parallel_loop3A_482 = arith.constant 1 : i32
        %parallel_loop3A_483 = arith.index_cast %parallel_loop3A_482 : i32 to index
        %parallel_loop3A_484 = arith.index_cast %parallel_loop3A_449 : i32 to index
        %parallel_loop3A_485 = arith.constant 32 : index
        %parallel_loop3A_486 = tpu.vector_load %arg6[%parallel_loop3A_483, %parallel_loop3A_484, %parallel_loop3A_485] {strides = array<i32>} : memref<5x256x64xf32, #tpu.memory_space<vmem>>, vector<1x1x16xf32>,
        %parallel_loop3A_487 = vector.shape_cast %parallel_loop3A_486 : vector<1x1x16xf32> to vector<16xf32>
        %parallel_loop3A_488 = arith.constant 8.000000e+00 : f32
        %parallel_loop3A_489 = vector.broadcast %parallel_loop3A_488 : f32 to vector<16xf32>
        %parallel_loop3A_490 = arith.mulf %parallel_loop3A_487, %parallel_loop3A_489 : vector<16xf32>
        %parallel_loop3A_491 = arith.constant 1 : i32
        %parallel_loop3A_492 = arith.index_cast %parallel_loop3A_491 : i32 to index
        %parallel_loop3A_493 = arith.index_cast %parallel_loop3A_449 : i32 to index
        %parallel_loop3A_494 = arith.constant 32 : index
        %parallel_loop3A_495 = tpu.vector_load %arg6[%parallel_loop3A_492, %parallel_loop3A_493, %parallel_loop3A_494] {strides = array<i32>} : memref<5x256x64xf32, #tpu.memory_space<vmem>>, vector<1x1x16xf32>,
        %parallel_loop3A_496 = vector.shape_cast %parallel_loop3A_495 : vector<1x1x16xf32> to vector<16xf32>
        %parallel_loop3A_497 = vector.shape_cast %parallel_loop3A_490 : vector<16xf32> to vector<1x1x16xf32>
        tpu.vector_store %arg6[%parallel_loop3A_492, %parallel_loop3A_493, %parallel_loop3A_494], %parallel_loop3A_497 {strides = array<i32>} : memref<5x256x64xf32, #tpu.memory_space<vmem>>, vector<1x1x16xf32>,
        %parallel_loop3A_498 = arith.constant 1 : i32
        %parallel_loop3A_499 = arith.index_cast %parallel_loop3A_498 : i32 to index
        %parallel_loop3A_500 = arith.index_cast %parallel_loop3A_449 : i32 to index
        %parallel_loop3A_501 = arith.constant 48 : index
        %parallel_loop3A_502 = tpu.vector_load %arg6[%parallel_loop3A_499, %parallel_loop3A_500, %parallel_loop3A_501] {strides = array<i32>} : memref<5x256x64xf32, #tpu.memory_space<vmem>>, vector<1x1x16xf32>,
        %parallel_loop3A_503 = vector.shape_cast %parallel_loop3A_502 : vector<1x1x16xf32> to vector<16xf32>
        %parallel_loop3A_504 = arith.constant 8.000000e+00 : f32
        %parallel_loop3A_505 = vector.broadcast %parallel_loop3A_504 : f32 to vector<16xf32>
        %parallel_loop3A_506 = arith.mulf %parallel_loop3A_503, %parallel_loop3A_505 : vector<16xf32>
        %parallel_loop3A_507 = arith.constant 1 : i32
        %parallel_loop3A_508 = arith.index_cast %parallel_loop3A_507 : i32 to index
        %parallel_loop3A_509 = arith.index_cast %parallel_loop3A_449 : i32 to index
        %parallel_loop3A_510 = arith.constant 48 : index
        %parallel_loop3A_511 = tpu.vector_load %arg6[%parallel_loop3A_508, %parallel_loop3A_509, %parallel_loop3A_510] {strides = array<i32>} : memref<5x256x64xf32, #tpu.memory_space<vmem>>, vector<1x1x16xf32>,
        %parallel_loop3A_512 = vector.shape_cast %parallel_loop3A_511 : vector<1x1x16xf32> to vector<16xf32>
        %parallel_loop3A_513 = vector.shape_cast %parallel_loop3A_506 : vector<16xf32> to vector<1x1x16xf32>
        tpu.vector_store %arg6[%parallel_loop3A_508, %parallel_loop3A_509, %parallel_loop3A_510], %parallel_loop3A_513 {strides = array<i32>} : memref<5x256x64xf32, #tpu.memory_space<vmem>>, vector<1x1x16xf32>,
      } {sc.loop_unroll_factor = 8 : i64, sc.parallel_access}
      %mul3A_298 = arith.constant 256 : i32
      %mul3A_299 = arith.muli %add3A_272, %mul3A_298 : i32
      %add3A_300 = arith.addi %mul3A_2, %mul3A_299 : i32
      %dma_start3A_301 = arith.constant 1 : i32
      %dma_start3A_302 = arith.constant 0 : i32
      %dma_start3A_303 = arith.constant 0 : i32
      %dma_start3A_304 = tpu.memref_slice %arg6[%dma_start3A_301, %dma_start3A_302, %dma_start3A_303] : memref<5x256x64xf32, #tpu.memory_space<vmem>> -> memref<1x256x64xf32, #tpu.memory_space<vmem>>
      %dma_start3A_305 = tpu.memref_squeeze %dma_start3A_304 : memref<1x256x64xf32, #tpu.memory_space<vmem>> -> memref<256x64xf32, #tpu.memory_space<vmem>>
      %dma_start3A_306 = arith.constant 0 : i32
      %dma_start3A_307 = tpu.memref_slice %arg4[%add3A_300, %dma_start3A_306] : memref<819200x64xf32, #tpu.memory_space<hbm>> -> memref<256x64xf32, #tpu.memory_space<hbm>>
      %dma_start3A_308 = arith.constant 0 : i32
      %dma_start3A_309 = tpu.memref_slice %arg4[%add3A_300, %dma_start3A_308] : memref<819200x64xf32, #tpu.memory_space<hbm>> -> memref<256x64xf32, #tpu.memory_space<hbm>>
      %dma_start3A_310 = arith.constant 0 : i32
      %dma_start3A_311 = arith.constant 0 : i32
      %dma_start3A_312 = tpu.memref_slice %arg6[%dma_start3A_301, %dma_start3A_310, %dma_start3A_311] : memref<5x256x64xf32, #tpu.memory_space<vmem>> -> memref<1x256x64xf32, #tpu.memory_space<vmem>>
      %dma_start3A_313 = tpu.memref_squeeze %dma_start3A_312 : memref<1x256x64xf32, #tpu.memory_space<vmem>> -> memref<256x64xf32, #tpu.memory_space<vmem>>
      tpu.enqueue_dma source(%dma_start3A_313 : memref<256x64xf32, #tpu.memory_space<vmem>>) target(%dma_start3A_309 : memref<256x64xf32, #tpu.memory_space<hbm>>) target_semaphore(%arg18 : memref<!tpu.dma_semaphore, #tpu.memory_space<semaphore_mem>>)
      %mul3A_314 = arith.constant 5 : i32
      %mul3A_315 = arith.muli %scan3A_227, %mul3A_314 : i32
      %add3A_316 = arith.constant 2 : i32
      %add3A_317 = arith.addi %mul3A_315, %add3A_316 : i32
      %dma_wait3A_318 = arith.constant 2 : i32
      %dma_wait3A_319 = arith.constant 0 : i32
      %dma_wait3A_320 = arith.constant 0 : i32
      %dma_wait3A_321 = tpu.memref_slice %arg6[%dma_wait3A_318, %dma_wait3A_319, %dma_wait3A_320] : memref<5x256x64xf32, #tpu.memory_space<vmem>> -> memref<1x256x64xf32, #tpu.memory_space<vmem>>
      %dma_wait3A_322 = tpu.memref_squeeze %dma_wait3A_321 : memref<1x256x64xf32, #tpu.memory_space<vmem>> -> memref<256x64xf32, #tpu.memory_space<vmem>>
      %dma_wait3A_323 = arith.constant 0 : i32
      %dma_wait3A_324 = arith.constant 0 : i32
      %dma_wait3A_325 = tpu.memref_slice %arg3[%dma_wait3A_323, %dma_wait3A_324] : memref<1000000x64xf32, #tpu.memory_space<hbm>> -> memref<256x64xf32, #tpu.memory_space<hbm>>
      %dma_wait3A_326 = arith.constant 0 : i32
      %dma_wait3A_327 = arith.constant 0 : i32
      %dma_wait3A_328 = tpu.memref_slice %arg6[%dma_wait3A_318, %dma_wait3A_326, %dma_wait3A_327] : memref<5x256x64xf32, #tpu.memory_space<vmem>> -> memref<1x256x64xf32, #tpu.memory_space<vmem>>
      %dma_wait3A_329 = tpu.memref_squeeze %dma_wait3A_328 : memref<1x256x64xf32, #tpu.memory_space<vmem>> -> memref<256x64xf32, #tpu.memory_space<vmem>>
      %dma_wait3A_330 = arith.constant 0 : i32
      %dma_wait3A_331 = arith.constant 0 : i32
      %dma_wait3A_332 = tpu.memref_slice %arg3[%dma_wait3A_330, %dma_wait3A_331] : memref<1000000x64xf32, #tpu.memory_space<hbm>> -> memref<256x64xf32, #tpu.memory_space<hbm>>
      tpu.wait_dma2 semaphore(%arg14 : memref<!tpu.dma_semaphore, #tpu.memory_space<semaphore_mem>>) src(%dma_wait3A_332 : memref<256x64xf32, #tpu.memory_space<hbm>>) dst(%dma_wait3A_329 : memref<256x64xf32, #tpu.memory_space<vmem>>)
      %add3A_333 = arith.constant 4 : i32
      %add3A_334 = arith.addi %add3A_317, %add3A_333 : i32
      %lt3A_335 = arith.constant 100 : i32
      %lt3A_336 = arith.cmpi slt, %add3A_334, %lt3A_335 : i32
      %convert_element_type3A_337 = arith.extui %lt3A_336 : i1 to i32
      %cond3A_338 = arith.constant 0 : i32
      %cond3A_339 = arith.cmpi ne, %convert_element_type3A_337, %cond3A_338 : i32
      scf.if %cond3A_339 {
        %dma_wait3A_449 = arith.constant 1 : i32
        %dma_wait3A_450 = arith.constant 0 : i32
        %dma_wait3A_451 = tpu.memref_slice %arg5[%dma_wait3A_449, %dma_wait3A_450] : memref<5x256xi32, #tpu.memory_space<vmem>> -> memref<1x256xi32, #tpu.memory_space<vmem>>
        %dma_wait3A_452 = tpu.memref_squeeze %dma_wait3A_451 : memref<1x256xi32, #tpu.memory_space<vmem>> -> memref<256xi32, #tpu.memory_space<vmem>>
        %dma_wait3A_453 = arith.constant 0 : i32
        %dma_wait3A_454 = tpu.memref_slice %arg2[%dma_wait3A_453] : memref<819200xi32, #tpu.memory_space<hbm>> -> memref<256xi32, #tpu.memory_space<hbm>>
        %dma_wait3A_455 = arith.constant 0 : i32
        %dma_wait3A_456 = tpu.memref_slice %arg5[%dma_wait3A_449, %dma_wait3A_455] : memref<5x256xi32, #tpu.memory_space<vmem>> -> memref<1x256xi32, #tpu.memory_space<vmem>>
        %dma_wait3A_457 = tpu.memref_squeeze %dma_wait3A_456 : memref<1x256xi32, #tpu.memory_space<vmem>> -> memref<256xi32, #tpu.memory_space<vmem>>
        %dma_wait3A_458 = arith.constant 0 : i32
        %dma_wait3A_459 = tpu.memref_slice %arg2[%dma_wait3A_458] : memref<819200xi32, #tpu.memory_space<hbm>> -> memref<256xi32, #tpu.memory_space<hbm>>
        tpu.wait_dma2 semaphore(%arg8 : memref<!tpu.dma_semaphore, #tpu.memory_space<semaphore_mem>>) src(%dma_wait3A_459 : memref<256xi32, #tpu.memory_space<hbm>>) dst(%dma_wait3A_457 : memref<256xi32, #tpu.memory_space<vmem>>)
        %ge3A = arith.constant 1 : i32
        %ge3A_460 = arith.cmpi sge, %add3A_317, %ge3A : i32
        %convert_element_type3A_461 = arith.extui %ge3A_460 : i1 to i32
        %cond3A_462 = arith.constant 0 : i32
        %cond3A_463 = arith.cmpi ne, %convert_element_type3A_461, %cond3A_462 : i32
        scf.if %cond3A_463 {
          %dma_wait3A_485 = arith.constant 1 : i32
          %dma_wait3A_486 = arith.constant 0 : i32
          %dma_wait3A_487 = arith.constant 0 : i32
          %dma_wait3A_488 = tpu.memref_slice %arg6[%dma_wait3A_485, %dma_wait3A_486, %dma_wait3A_487] : memref<5x256x64xf32, #tpu.memory_space<vmem>> -> memref<1x256x64xf32, #tpu.memory_space<vmem>>
          %dma_wait3A_489 = tpu.memref_squeeze %dma_wait3A_488 : memref<1x256x64xf32, #tpu.memory_space<vmem>> -> memref<256x64xf32, #tpu.memory_space<vmem>>
          %dma_wait3A_490 = arith.constant 0 : i32
          %dma_wait3A_491 = arith.constant 0 : i32
          %dma_wait3A_492 = tpu.memref_slice %arg4[%dma_wait3A_490, %dma_wait3A_491] : memref<819200x64xf32, #tpu.memory_space<hbm>> -> memref<256x64xf32, #tpu.memory_space<hbm>>
          %dma_wait3A_493 = arith.constant 0 : i32
          %dma_wait3A_494 = arith.constant 0 : i32
          %dma_wait3A_495 = tpu.memref_slice %arg4[%dma_wait3A_493, %dma_wait3A_494] : memref<819200x64xf32, #tpu.memory_space<hbm>> -> memref<256x64xf32, #tpu.memory_space<hbm>>
          %dma_wait3A_496 = arith.constant 0 : i32
          %dma_wait3A_497 = arith.constant 0 : i32
          %dma_wait3A_498 = tpu.memref_slice %arg6[%dma_wait3A_485, %dma_wait3A_496, %dma_wait3A_497] : memref<5x256x64xf32, #tpu.memory_space<vmem>> -> memref<1x256x64xf32, #tpu.memory_space<vmem>>
          %dma_wait3A_499 = tpu.memref_squeeze %dma_wait3A_498 : memref<1x256x64xf32, #tpu.memory_space<vmem>> -> memref<256x64xf32, #tpu.memory_space<vmem>>
          tpu.wait_dma2 semaphore(%arg18 : memref<!tpu.dma_semaphore, #tpu.memory_space<semaphore_mem>>) src(%dma_wait3A_499 : memref<256x64xf32, #tpu.memory_space<vmem>>) dst(%dma_wait3A_495 : memref<256x64xf32, #tpu.memory_space<hbm>>)
        } else {
        }
        %dma_start3A_464 = arith.constant 1 : i32
        %dma_start3A_465 = arith.constant 1 : i32
        %dma_start3A_466 = arith.constant 0 : i32
        %dma_start3A_467 = arith.constant 0 : i32
        %dma_start3A_468 = tpu.memref_slice %arg6[%dma_start3A_465, %dma_start3A_466, %dma_start3A_467] : memref<5x256x64xf32, #tpu.memory_space<vmem>> -> memref<1x256x64xf32, #tpu.memory_space<vmem>>
        %dma_start3A_469 = tpu.memref_squeeze %dma_start3A_468 : memref<1x256x64xf32, #tpu.memory_space<vmem>> -> memref<256x64xf32, #tpu.memory_space<vmem>>
        %dma_start3A_470 = arith.constant 0 : i32
        %dma_start3A_471 = tpu.memref_slice %arg5[%dma_start3A_464, %dma_start3A_470] : memref<5x256xi32, #tpu.memory_space<vmem>> -> memref<1x256xi32, #tpu.memory_space<vmem>>
        %dma_start3A_472 = tpu.memref_squeeze %dma_start3A_471 : memref<1x256xi32, #tpu.memory_space<vmem>> -> memref<256xi32, #tpu.memory_space<vmem>>
        %dma_start3A_473 = arith.constant 0 : i32
        %dma_start3A_474 = arith.constant 0 : i32
        %dma_start3A_475 = tpu.memref_slice %arg3[%dma_start3A_473, %dma_start3A_474] : memref<1000000x64xf32, #tpu.memory_space<hbm>> -> memref<1000000x64xf32, #tpu.memory_space<hbm>>
        tpu.enqueue_indirect_dma source(%dma_start3A_475 : memref<1000000x64xf32, #tpu.memory_space<hbm>>) target(%dma_start3A_469 : memref<256x64xf32, #tpu.memory_space<vmem>>) offsets(%dma_start3A_472 : memref<256xi32, #tpu.memory_space<vmem>>) semaphore(%arg13 : memref<!tpu.dma_semaphore, #tpu.memory_space<semaphore_mem>>)
        %add3A_476 = arith.constant 4 : i32
        %add3A_477 = arith.addi %add3A_317, %add3A_476 : i32
        %add3A_478 = arith.constant 1 : i32
        %add3A_479 = arith.addi %add3A_477, %add3A_478 : i32
        %lt3A_480 = arith.constant 100 : i32
        %lt3A_481 = arith.cmpi slt, %add3A_479, %lt3A_480 : i32
        %convert_element_type3A_482 = arith.extui %lt3A_481 : i1 to i32
        %cond3A_483 = arith.constant 0 : i32
        %cond3A_484 = arith.cmpi ne, %convert_element_type3A_482, %cond3A_483 : i32
        scf.if %cond3A_484 {
          %add3A_485 = arith.constant 4 : i32
          %add3A_486 = arith.addi %add3A_317, %add3A_485 : i32
          %add3A_487 = arith.constant 1 : i32
          %add3A_488 = arith.addi %add3A_486, %add3A_487 : i32
          %mul3A_489 = arith.constant 256 : i32
          %mul3A_490 = arith.muli %add3A_488, %mul3A_489 : i32
          %add3A_491 = arith.addi %mul3A_2, %mul3A_490 : i32
          %dma_start3A_492 = arith.constant 2 : i32
          %dma_start3A_493 = arith.constant 0 : i32
          %dma_start3A_494 = tpu.memref_slice %arg5[%dma_start3A_492, %dma_start3A_493] : memref<5x256xi32, #tpu.memory_space<vmem>> -> memref<1x256xi32, #tpu.memory_space<vmem>>
          %dma_start3A_495 = tpu.memref_squeeze %dma_start3A_494 : memref<1x256xi32, #tpu.memory_space<vmem>> -> memref<256xi32, #tpu.memory_space<vmem>>
          %dma_start3A_496 = tpu.memref_slice %arg2[%add3A_491] : memref<819200xi32, #tpu.memory_space<hbm>> -> memref<256xi32, #tpu.memory_space<hbm>>
          %dma_start3A_497 = arith.constant 0 : i32
          %dma_start3A_498 = tpu.memref_slice %arg5[%dma_start3A_492, %dma_start3A_497] : memref<5x256xi32, #tpu.memory_space<vmem>> -> memref<1x256xi32, #tpu.memory_space<vmem>>
          %dma_start3A_499 = tpu.memref_squeeze %dma_start3A_498 : memref<1x256xi32, #tpu.memory_space<vmem>> -> memref<256xi32, #tpu.memory_space<vmem>>
          %dma_start3A_500 = tpu.memref_slice %arg2[%add3A_491] : memref<819200xi32, #tpu.memory_space<hbm>> -> memref<256xi32, #tpu.memory_space<hbm>>
          tpu.enqueue_dma source(%dma_start3A_500 : memref<256xi32, #tpu.memory_space<hbm>>) target(%dma_start3A_499 : memref<256xi32, #tpu.memory_space<vmem>>) target_semaphore(%arg9 : memref<!tpu.dma_semaphore, #tpu.memory_space<semaphore_mem>>)
        } else {
        }
      } else {
      }
      %parallel_loop3A_340 = arith.constant 0 : i32
      %parallel_loop3A_341 = arith.constant 256 : i32
      %parallel_loop3A_342 = arith.constant 1 : i32
      scf.for %parallel_loop3A_449 = %parallel_loop3A_340 to %parallel_loop3A_341 step %parallel_loop3A_342  : i32 {
        %parallel_loop3A_450 = arith.constant 2 : i32
        %parallel_loop3A_451 = arith.index_cast %parallel_loop3A_450 : i32 to index
        %parallel_loop3A_452 = arith.index_cast %parallel_loop3A_449 : i32 to index
        %parallel_loop3A_453 = arith.constant 0 : index
        %parallel_loop3A_454 = tpu.vector_load %arg6[%parallel_loop3A_451, %parallel_loop3A_452, %parallel_loop3A_453] {strides = array<i32>} : memref<5x256x64xf32, #tpu.memory_space<vmem>>, vector<1x1x16xf32>,
        %parallel_loop3A_455 = vector.shape_cast %parallel_loop3A_454 : vector<1x1x16xf32> to vector<16xf32>
        %parallel_loop3A_456 = arith.constant 8.000000e+00 : f32
        %parallel_loop3A_457 = vector.broadcast %parallel_loop3A_456 : f32 to vector<16xf32>
        %parallel_loop3A_458 = arith.mulf %parallel_loop3A_455, %parallel_loop3A_457 : vector<16xf32>
        %parallel_loop3A_459 = arith.constant 2 : i32
        %parallel_loop3A_460 = arith.index_cast %parallel_loop3A_459 : i32 to index
        %parallel_loop3A_461 = arith.index_cast %parallel_loop3A_449 : i32 to index
        %parallel_loop3A_462 = arith.constant 0 : index
        %parallel_loop3A_463 = tpu.vector_load %arg6[%parallel_loop3A_460, %parallel_loop3A_461, %parallel_loop3A_462] {strides = array<i32>} : memref<5x256x64xf32, #tpu.memory_space<vmem>>, vector<1x1x16xf32>,
        %parallel_loop3A_464 = vector.shape_cast %parallel_loop3A_463 : vector<1x1x16xf32> to vector<16xf32>
        %parallel_loop3A_465 = vector.shape_cast %parallel_loop3A_458 : vector<16xf32> to vector<1x1x16xf32>
        tpu.vector_store %arg6[%parallel_loop3A_460, %parallel_loop3A_461, %parallel_loop3A_462], %parallel_loop3A_465 {strides = array<i32>} : memref<5x256x64xf32, #tpu.memory_space<vmem>>, vector<1x1x16xf32>,
        %parallel_loop3A_466 = arith.constant 2 : i32
        %parallel_loop3A_467 = arith.index_cast %parallel_loop3A_466 : i32 to index
        %parallel_loop3A_468 = arith.index_cast %parallel_loop3A_449 : i32 to index
        %parallel_loop3A_469 = arith.constant 16 : index
        %parallel_loop3A_470 = tpu.vector_load %arg6[%parallel_loop3A_467, %parallel_loop3A_468, %parallel_loop3A_469] {strides = array<i32>} : memref<5x256x64xf32, #tpu.memory_space<vmem>>, vector<1x1x16xf32>,
        %parallel_loop3A_471 = vector.shape_cast %parallel_loop3A_470 : vector<1x1x16xf32> to vector<16xf32>
        %parallel_loop3A_472 = arith.constant 8.000000e+00 : f32
        %parallel_loop3A_473 = vector.broadcast %parallel_loop3A_472 : f32 to vector<16xf32>
        %parallel_loop3A_474 = arith.mulf %parallel_loop3A_471, %parallel_loop3A_473 : vector<16xf32>
        %parallel_loop3A_475 = arith.constant 2 : i32
        %parallel_loop3A_476 = arith.index_cast %parallel_loop3A_475 : i32 to index
        %parallel_loop3A_477 = arith.index_cast %parallel_loop3A_449 : i32 to index
        %parallel_loop3A_478 = arith.constant 16 : index
        %parallel_loop3A_479 = tpu.vector_load %arg6[%parallel_loop3A_476, %parallel_loop3A_477, %parallel_loop3A_478] {strides = array<i32>} : memref<5x256x64xf32, #tpu.memory_space<vmem>>, vector<1x1x16xf32>,
        %parallel_loop3A_480 = vector.shape_cast %parallel_loop3A_479 : vector<1x1x16xf32> to vector<16xf32>
        %parallel_loop3A_481 = vector.shape_cast %parallel_loop3A_474 : vector<16xf32> to vector<1x1x16xf32>
        tpu.vector_store %arg6[%parallel_loop3A_476, %parallel_loop3A_477, %parallel_loop3A_478], %parallel_loop3A_481 {strides = array<i32>} : memref<5x256x64xf32, #tpu.memory_space<vmem>>, vector<1x1x16xf32>,
        %parallel_loop3A_482 = arith.constant 2 : i32
        %parallel_loop3A_483 = arith.index_cast %parallel_loop3A_482 : i32 to index
        %parallel_loop3A_484 = arith.index_cast %parallel_loop3A_449 : i32 to index
        %parallel_loop3A_485 = arith.constant 32 : index
        %parallel_loop3A_486 = tpu.vector_load %arg6[%parallel_loop3A_483, %parallel_loop3A_484, %parallel_loop3A_485] {strides = array<i32>} : memref<5x256x64xf32, #tpu.memory_space<vmem>>, vector<1x1x16xf32>,
        %parallel_loop3A_487 = vector.shape_cast %parallel_loop3A_486 : vector<1x1x16xf32> to vector<16xf32>
        %parallel_loop3A_488 = arith.constant 8.000000e+00 : f32
        %parallel_loop3A_489 = vector.broadcast %parallel_loop3A_488 : f32 to vector<16xf32>
        %parallel_loop3A_490 = arith.mulf %parallel_loop3A_487, %parallel_loop3A_489 : vector<16xf32>
        %parallel_loop3A_491 = arith.constant 2 : i32
        %parallel_loop3A_492 = arith.index_cast %parallel_loop3A_491 : i32 to index
        %parallel_loop3A_493 = arith.index_cast %parallel_loop3A_449 : i32 to index
        %parallel_loop3A_494 = arith.constant 32 : index
        %parallel_loop3A_495 = tpu.vector_load %arg6[%parallel_loop3A_492, %parallel_loop3A_493, %parallel_loop3A_494] {strides = array<i32>} : memref<5x256x64xf32, #tpu.memory_space<vmem>>, vector<1x1x16xf32>,
        %parallel_loop3A_496 = vector.shape_cast %parallel_loop3A_495 : vector<1x1x16xf32> to vector<16xf32>
        %parallel_loop3A_497 = vector.shape_cast %parallel_loop3A_490 : vector<16xf32> to vector<1x1x16xf32>
        tpu.vector_store %arg6[%parallel_loop3A_492, %parallel_loop3A_493, %parallel_loop3A_494], %parallel_loop3A_497 {strides = array<i32>} : memref<5x256x64xf32, #tpu.memory_space<vmem>>, vector<1x1x16xf32>,
        %parallel_loop3A_498 = arith.constant 2 : i32
        %parallel_loop3A_499 = arith.index_cast %parallel_loop3A_498 : i32 to index
        %parallel_loop3A_500 = arith.index_cast %parallel_loop3A_449 : i32 to index
        %parallel_loop3A_501 = arith.constant 48 : index
        %parallel_loop3A_502 = tpu.vector_load %arg6[%parallel_loop3A_499, %parallel_loop3A_500, %parallel_loop3A_501] {strides = array<i32>} : memref<5x256x64xf32, #tpu.memory_space<vmem>>, vector<1x1x16xf32>,
        %parallel_loop3A_503 = vector.shape_cast %parallel_loop3A_502 : vector<1x1x16xf32> to vector<16xf32>
        %parallel_loop3A_504 = arith.constant 8.000000e+00 : f32
        %parallel_loop3A_505 = vector.broadcast %parallel_loop3A_504 : f32 to vector<16xf32>
        %parallel_loop3A_506 = arith.mulf %parallel_loop3A_503, %parallel_loop3A_505 : vector<16xf32>
        %parallel_loop3A_507 = arith.constant 2 : i32
        %parallel_loop3A_508 = arith.index_cast %parallel_loop3A_507 : i32 to index
        %parallel_loop3A_509 = arith.index_cast %parallel_loop3A_449 : i32 to index
        %parallel_loop3A_510 = arith.constant 48 : index
        %parallel_loop3A_511 = tpu.vector_load %arg6[%parallel_loop3A_508, %parallel_loop3A_509, %parallel_loop3A_510] {strides = array<i32>} : memref<5x256x64xf32, #tpu.memory_space<vmem>>, vector<1x1x16xf32>,
        %parallel_loop3A_512 = vector.shape_cast %parallel_loop3A_511 : vector<1x1x16xf32> to vector<16xf32>
        %parallel_loop3A_513 = vector.shape_cast %parallel_loop3A_506 : vector<16xf32> to vector<1x1x16xf32>
        tpu.vector_store %arg6[%parallel_loop3A_508, %parallel_loop3A_509, %parallel_loop3A_510], %parallel_loop3A_513 {strides = array<i32>} : memref<5x256x64xf32, #tpu.memory_space<vmem>>, vector<1x1x16xf32>,
      } {sc.loop_unroll_factor = 8 : i64, sc.parallel_access}
      %mul3A_343 = arith.constant 256 : i32
      %mul3A_344 = arith.muli %add3A_317, %mul3A_343 : i32
      %add3A_345 = arith.addi %mul3A_2, %mul3A_344 : i32
      %dma_start3A_346 = arith.constant 2 : i32
      %dma_start3A_347 = arith.constant 0 : i32
      %dma_start3A_348 = arith.constant 0 : i32
      %dma_start3A_349 = tpu.memref_slice %arg6[%dma_start3A_346, %dma_start3A_347, %dma_start3A_348] : memref<5x256x64xf32, #tpu.memory_space<vmem>> -> memref<1x256x64xf32, #tpu.memory_space<vmem>>
      %dma_start3A_350 = tpu.memref_squeeze %dma_start3A_349 : memref<1x256x64xf32, #tpu.memory_space<vmem>> -> memref<256x64xf32, #tpu.memory_space<vmem>>
      %dma_start3A_351 = arith.constant 0 : i32
      %dma_start3A_352 = tpu.memref_slice %arg4[%add3A_345, %dma_start3A_351] : memref<819200x64xf32, #tpu.memory_space<hbm>> -> memref<256x64xf32, #tpu.memory_space<hbm>>
      %dma_start3A_353 = arith.constant 0 : i32
      %dma_start3A_354 = tpu.memref_slice %arg4[%add3A_345, %dma_start3A_353] : memref<819200x64xf32, #tpu.memory_space<hbm>> -> memref<256x64xf32, #tpu.memory_space<hbm>>
      %dma_start3A_355 = arith.constant 0 : i32
      %dma_start3A_356 = arith.constant 0 : i32
      %dma_start3A_357 = tpu.memref_slice %arg6[%dma_start3A_346, %dma_start3A_355, %dma_start3A_356] : memref<5x256x64xf32, #tpu.memory_space<vmem>> -> memref<1x256x64xf32, #tpu.memory_space<vmem>>
      %dma_start3A_358 = tpu.memref_squeeze %dma_start3A_357 : memref<1x256x64xf32, #tpu.memory_space<vmem>> -> memref<256x64xf32, #tpu.memory_space<vmem>>
      tpu.enqueue_dma source(%dma_start3A_358 : memref<256x64xf32, #tpu.memory_space<vmem>>) target(%dma_start3A_354 : memref<256x64xf32, #tpu.memory_space<hbm>>) target_semaphore(%arg19 : memref<!tpu.dma_semaphore, #tpu.memory_space<semaphore_mem>>)
      %mul3A_359 = arith.constant 5 : i32
      %mul3A_360 = arith.muli %scan3A_227, %mul3A_359 : i32
      %add3A_361 = arith.constant 3 : i32
      %add3A_362 = arith.addi %mul3A_360, %add3A_361 : i32
      %dma_wait3A_363 = arith.constant 3 : i32
      %dma_wait3A_364 = arith.constant 0 : i32
      %dma_wait3A_365 = arith.constant 0 : i32
      %dma_wait3A_366 = tpu.memref_slice %arg6[%dma_wait3A_363, %dma_wait3A_364, %dma_wait3A_365] : memref<5x256x64xf32, #tpu.memory_space<vmem>> -> memref<1x256x64xf32, #tpu.memory_space<vmem>>
      %dma_wait3A_367 = tpu.memref_squeeze %dma_wait3A_366 : memref<1x256x64xf32, #tpu.memory_space<vmem>> -> memref<256x64xf32, #tpu.memory_space<vmem>>
      %dma_wait3A_368 = arith.constant 0 : i32
      %dma_wait3A_369 = arith.constant 0 : i32
      %dma_wait3A_370 = tpu.memref_slice %arg3[%dma_wait3A_368, %dma_wait3A_369] : memref<1000000x64xf32, #tpu.memory_space<hbm>> -> memref<256x64xf32, #tpu.memory_space<hbm>>
      %dma_wait3A_371 = arith.constant 0 : i32
      %dma_wait3A_372 = arith.constant 0 : i32
      %dma_wait3A_373 = tpu.memref_slice %arg6[%dma_wait3A_363, %dma_wait3A_371, %dma_wait3A_372] : memref<5x256x64xf32, #tpu.memory_space<vmem>> -> memref<1x256x64xf32, #tpu.memory_space<vmem>>
      %dma_wait3A_374 = tpu.memref_squeeze %dma_wait3A_373 : memref<1x256x64xf32, #tpu.memory_space<vmem>> -> memref<256x64xf32, #tpu.memory_space<vmem>>
      %dma_wait3A_375 = arith.constant 0 : i32
      %dma_wait3A_376 = arith.constant 0 : i32
      %dma_wait3A_377 = tpu.memref_slice %arg3[%dma_wait3A_375, %dma_wait3A_376] : memref<1000000x64xf32, #tpu.memory_space<hbm>> -> memref<256x64xf32, #tpu.memory_space<hbm>>
      tpu.wait_dma2 semaphore(%arg15 : memref<!tpu.dma_semaphore, #tpu.memory_space<semaphore_mem>>) src(%dma_wait3A_377 : memref<256x64xf32, #tpu.memory_space<hbm>>) dst(%dma_wait3A_374 : memref<256x64xf32, #tpu.memory_space<vmem>>)
      %add3A_378 = arith.constant 4 : i32
      %add3A_379 = arith.addi %add3A_362, %add3A_378 : i32
      %lt3A_380 = arith.constant 100 : i32
      %lt3A_381 = arith.cmpi slt, %add3A_379, %lt3A_380 : i32
      %convert_element_type3A_382 = arith.extui %lt3A_381 : i1 to i32
      %cond3A_383 = arith.constant 0 : i32
      %cond3A_384 = arith.cmpi ne, %convert_element_type3A_382, %cond3A_383 : i32
      scf.if %cond3A_384 {
        %dma_wait3A_449 = arith.constant 2 : i32
        %dma_wait3A_450 = arith.constant 0 : i32
        %dma_wait3A_451 = tpu.memref_slice %arg5[%dma_wait3A_449, %dma_wait3A_450] : memref<5x256xi32, #tpu.memory_space<vmem>> -> memref<1x256xi32, #tpu.memory_space<vmem>>
        %dma_wait3A_452 = tpu.memref_squeeze %dma_wait3A_451 : memref<1x256xi32, #tpu.memory_space<vmem>> -> memref<256xi32, #tpu.memory_space<vmem>>
        %dma_wait3A_453 = arith.constant 0 : i32
        %dma_wait3A_454 = tpu.memref_slice %arg2[%dma_wait3A_453] : memref<819200xi32, #tpu.memory_space<hbm>> -> memref<256xi32, #tpu.memory_space<hbm>>
        %dma_wait3A_455 = arith.constant 0 : i32
        %dma_wait3A_456 = tpu.memref_slice %arg5[%dma_wait3A_449, %dma_wait3A_455] : memref<5x256xi32, #tpu.memory_space<vmem>> -> memref<1x256xi32, #tpu.memory_space<vmem>>
        %dma_wait3A_457 = tpu.memref_squeeze %dma_wait3A_456 : memref<1x256xi32, #tpu.memory_space<vmem>> -> memref<256xi32, #tpu.memory_space<vmem>>
        %dma_wait3A_458 = arith.constant 0 : i32
        %dma_wait3A_459 = tpu.memref_slice %arg2[%dma_wait3A_458] : memref<819200xi32, #tpu.memory_space<hbm>> -> memref<256xi32, #tpu.memory_space<hbm>>
        tpu.wait_dma2 semaphore(%arg9 : memref<!tpu.dma_semaphore, #tpu.memory_space<semaphore_mem>>) src(%dma_wait3A_459 : memref<256xi32, #tpu.memory_space<hbm>>) dst(%dma_wait3A_457 : memref<256xi32, #tpu.memory_space<vmem>>)
        %ge3A = arith.constant 1 : i32
        %ge3A_460 = arith.cmpi sge, %add3A_362, %ge3A : i32
        %convert_element_type3A_461 = arith.extui %ge3A_460 : i1 to i32
        %cond3A_462 = arith.constant 0 : i32
        %cond3A_463 = arith.cmpi ne, %convert_element_type3A_461, %cond3A_462 : i32
        scf.if %cond3A_463 {
          %dma_wait3A_485 = arith.constant 2 : i32
          %dma_wait3A_486 = arith.constant 0 : i32
          %dma_wait3A_487 = arith.constant 0 : i32
          %dma_wait3A_488 = tpu.memref_slice %arg6[%dma_wait3A_485, %dma_wait3A_486, %dma_wait3A_487] : memref<5x256x64xf32, #tpu.memory_space<vmem>> -> memref<1x256x64xf32, #tpu.memory_space<vmem>>
          %dma_wait3A_489 = tpu.memref_squeeze %dma_wait3A_488 : memref<1x256x64xf32, #tpu.memory_space<vmem>> -> memref<256x64xf32, #tpu.memory_space<vmem>>
          %dma_wait3A_490 = arith.constant 0 : i32
          %dma_wait3A_491 = arith.constant 0 : i32
          %dma_wait3A_492 = tpu.memref_slice %arg4[%dma_wait3A_490, %dma_wait3A_491] : memref<819200x64xf32, #tpu.memory_space<hbm>> -> memref<256x64xf32, #tpu.memory_space<hbm>>
          %dma_wait3A_493 = arith.constant 0 : i32
          %dma_wait3A_494 = arith.constant 0 : i32
          %dma_wait3A_495 = tpu.memref_slice %arg4[%dma_wait3A_493, %dma_wait3A_494] : memref<819200x64xf32, #tpu.memory_space<hbm>> -> memref<256x64xf32, #tpu.memory_space<hbm>>
          %dma_wait3A_496 = arith.constant 0 : i32
          %dma_wait3A_497 = arith.constant 0 : i32
          %dma_wait3A_498 = tpu.memref_slice %arg6[%dma_wait3A_485, %dma_wait3A_496, %dma_wait3A_497] : memref<5x256x64xf32, #tpu.memory_space<vmem>> -> memref<1x256x64xf32, #tpu.memory_space<vmem>>
          %dma_wait3A_499 = tpu.memref_squeeze %dma_wait3A_498 : memref<1x256x64xf32, #tpu.memory_space<vmem>> -> memref<256x64xf32, #tpu.memory_space<vmem>>
          tpu.wait_dma2 semaphore(%arg19 : memref<!tpu.dma_semaphore, #tpu.memory_space<semaphore_mem>>) src(%dma_wait3A_499 : memref<256x64xf32, #tpu.memory_space<vmem>>) dst(%dma_wait3A_495 : memref<256x64xf32, #tpu.memory_space<hbm>>)
        } else {
        }
        %dma_start3A_464 = arith.constant 2 : i32
        %dma_start3A_465 = arith.constant 2 : i32
        %dma_start3A_466 = arith.constant 0 : i32
        %dma_start3A_467 = arith.constant 0 : i32
        %dma_start3A_468 = tpu.memref_slice %arg6[%dma_start3A_465, %dma_start3A_466, %dma_start3A_467] : memref<5x256x64xf32, #tpu.memory_space<vmem>> -> memref<1x256x64xf32, #tpu.memory_space<vmem>>
        %dma_start3A_469 = tpu.memref_squeeze %dma_start3A_468 : memref<1x256x64xf32, #tpu.memory_space<vmem>> -> memref<256x64xf32, #tpu.memory_space<vmem>>
        %dma_start3A_470 = arith.constant 0 : i32
        %dma_start3A_471 = tpu.memref_slice %arg5[%dma_start3A_464, %dma_start3A_470] : memref<5x256xi32, #tpu.memory_space<vmem>> -> memref<1x256xi32, #tpu.memory_space<vmem>>
        %dma_start3A_472 = tpu.memref_squeeze %dma_start3A_471 : memref<1x256xi32, #tpu.memory_space<vmem>> -> memref<256xi32, #tpu.memory_space<vmem>>
        %dma_start3A_473 = arith.constant 0 : i32
        %dma_start3A_474 = arith.constant 0 : i32
        %dma_start3A_475 = tpu.memref_slice %arg3[%dma_start3A_473, %dma_start3A_474] : memref<1000000x64xf32, #tpu.memory_space<hbm>> -> memref<1000000x64xf32, #tpu.memory_space<hbm>>
        tpu.enqueue_indirect_dma source(%dma_start3A_475 : memref<1000000x64xf32, #tpu.memory_space<hbm>>) target(%dma_start3A_469 : memref<256x64xf32, #tpu.memory_space<vmem>>) offsets(%dma_start3A_472 : memref<256xi32, #tpu.memory_space<vmem>>) semaphore(%arg14 : memref<!tpu.dma_semaphore, #tpu.memory_space<semaphore_mem>>)
        %add3A_476 = arith.constant 4 : i32
        %add3A_477 = arith.addi %add3A_362, %add3A_476 : i32
        %add3A_478 = arith.constant 1 : i32
        %add3A_479 = arith.addi %add3A_477, %add3A_478 : i32
        %lt3A_480 = arith.constant 100 : i32
        %lt3A_481 = arith.cmpi slt, %add3A_479, %lt3A_480 : i32
        %convert_element_type3A_482 = arith.extui %lt3A_481 : i1 to i32
        %cond3A_483 = arith.constant 0 : i32
        %cond3A_484 = arith.cmpi ne, %convert_element_type3A_482, %cond3A_483 : i32
        scf.if %cond3A_484 {
          %add3A_485 = arith.constant 4 : i32
          %add3A_486 = arith.addi %add3A_362, %add3A_485 : i32
          %add3A_487 = arith.constant 1 : i32
          %add3A_488 = arith.addi %add3A_486, %add3A_487 : i32
          %mul3A_489 = arith.constant 256 : i32
          %mul3A_490 = arith.muli %add3A_488, %mul3A_489 : i32
          %add3A_491 = arith.addi %mul3A_2, %mul3A_490 : i32
          %dma_start3A_492 = arith.constant 3 : i32
          %dma_start3A_493 = arith.constant 0 : i32
          %dma_start3A_494 = tpu.memref_slice %arg5[%dma_start3A_492, %dma_start3A_493] : memref<5x256xi32, #tpu.memory_space<vmem>> -> memref<1x256xi32, #tpu.memory_space<vmem>>
          %dma_start3A_495 = tpu.memref_squeeze %dma_start3A_494 : memref<1x256xi32, #tpu.memory_space<vmem>> -> memref<256xi32, #tpu.memory_space<vmem>>
          %dma_start3A_496 = tpu.memref_slice %arg2[%add3A_491] : memref<819200xi32, #tpu.memory_space<hbm>> -> memref<256xi32, #tpu.memory_space<hbm>>
          %dma_start3A_497 = arith.constant 0 : i32
          %dma_start3A_498 = tpu.memref_slice %arg5[%dma_start3A_492, %dma_start3A_497] : memref<5x256xi32, #tpu.memory_space<vmem>> -> memref<1x256xi32, #tpu.memory_space<vmem>>
          %dma_start3A_499 = tpu.memref_squeeze %dma_start3A_498 : memref<1x256xi32, #tpu.memory_space<vmem>> -> memref<256xi32, #tpu.memory_space<vmem>>
          %dma_start3A_500 = tpu.memref_slice %arg2[%add3A_491] : memref<819200xi32, #tpu.memory_space<hbm>> -> memref<256xi32, #tpu.memory_space<hbm>>
          tpu.enqueue_dma source(%dma_start3A_500 : memref<256xi32, #tpu.memory_space<hbm>>) target(%dma_start3A_499 : memref<256xi32, #tpu.memory_space<vmem>>) target_semaphore(%arg10 : memref<!tpu.dma_semaphore, #tpu.memory_space<semaphore_mem>>)
        } else {
        }
      } else {
      }
      %parallel_loop3A_385 = arith.constant 0 : i32
      %parallel_loop3A_386 = arith.constant 256 : i32
      %parallel_loop3A_387 = arith.constant 1 : i32
      scf.for %parallel_loop3A_449 = %parallel_loop3A_385 to %parallel_loop3A_386 step %parallel_loop3A_387  : i32 {
        %parallel_loop3A_450 = arith.constant 3 : i32
        %parallel_loop3A_451 = arith.index_cast %parallel_loop3A_450 : i32 to index
        %parallel_loop3A_452 = arith.index_cast %parallel_loop3A_449 : i32 to index
        %parallel_loop3A_453 = arith.constant 0 : index
        %parallel_loop3A_454 = tpu.vector_load %arg6[%parallel_loop3A_451, %parallel_loop3A_452, %parallel_loop3A_453] {strides = array<i32>} : memref<5x256x64xf32, #tpu.memory_space<vmem>>, vector<1x1x16xf32>,
        %parallel_loop3A_455 = vector.shape_cast %parallel_loop3A_454 : vector<1x1x16xf32> to vector<16xf32>
        %parallel_loop3A_456 = arith.constant 8.000000e+00 : f32
        %parallel_loop3A_457 = vector.broadcast %parallel_loop3A_456 : f32 to vector<16xf32>
        %parallel_loop3A_458 = arith.mulf %parallel_loop3A_455, %parallel_loop3A_457 : vector<16xf32>
        %parallel_loop3A_459 = arith.constant 3 : i32
        %parallel_loop3A_460 = arith.index_cast %parallel_loop3A_459 : i32 to index
        %parallel_loop3A_461 = arith.index_cast %parallel_loop3A_449 : i32 to index
        %parallel_loop3A_462 = arith.constant 0 : index
        %parallel_loop3A_463 = tpu.vector_load %arg6[%parallel_loop3A_460, %parallel_loop3A_461, %parallel_loop3A_462] {strides = array<i32>} : memref<5x256x64xf32, #tpu.memory_space<vmem>>, vector<1x1x16xf32>,
        %parallel_loop3A_464 = vector.shape_cast %parallel_loop3A_463 : vector<1x1x16xf32> to vector<16xf32>
        %parallel_loop3A_465 = vector.shape_cast %parallel_loop3A_458 : vector<16xf32> to vector<1x1x16xf32>
        tpu.vector_store %arg6[%parallel_loop3A_460, %parallel_loop3A_461, %parallel_loop3A_462], %parallel_loop3A_465 {strides = array<i32>} : memref<5x256x64xf32, #tpu.memory_space<vmem>>, vector<1x1x16xf32>,
        %parallel_loop3A_466 = arith.constant 3 : i32
        %parallel_loop3A_467 = arith.index_cast %parallel_loop3A_466 : i32 to index
        %parallel_loop3A_468 = arith.index_cast %parallel_loop3A_449 : i32 to index
        %parallel_loop3A_469 = arith.constant 16 : index
        %parallel_loop3A_470 = tpu.vector_load %arg6[%parallel_loop3A_467, %parallel_loop3A_468, %parallel_loop3A_469] {strides = array<i32>} : memref<5x256x64xf32, #tpu.memory_space<vmem>>, vector<1x1x16xf32>,
        %parallel_loop3A_471 = vector.shape_cast %parallel_loop3A_470 : vector<1x1x16xf32> to vector<16xf32>
        %parallel_loop3A_472 = arith.constant 8.000000e+00 : f32
        %parallel_loop3A_473 = vector.broadcast %parallel_loop3A_472 : f32 to vector<16xf32>
        %parallel_loop3A_474 = arith.mulf %parallel_loop3A_471, %parallel_loop3A_473 : vector<16xf32>
        %parallel_loop3A_475 = arith.constant 3 : i32
        %parallel_loop3A_476 = arith.index_cast %parallel_loop3A_475 : i32 to index
        %parallel_loop3A_477 = arith.index_cast %parallel_loop3A_449 : i32 to index
        %parallel_loop3A_478 = arith.constant 16 : index
        %parallel_loop3A_479 = tpu.vector_load %arg6[%parallel_loop3A_476, %parallel_loop3A_477, %parallel_loop3A_478] {strides = array<i32>} : memref<5x256x64xf32, #tpu.memory_space<vmem>>, vector<1x1x16xf32>,
        %parallel_loop3A_480 = vector.shape_cast %parallel_loop3A_479 : vector<1x1x16xf32> to vector<16xf32>
        %parallel_loop3A_481 = vector.shape_cast %parallel_loop3A_474 : vector<16xf32> to vector<1x1x16xf32>
        tpu.vector_store %arg6[%parallel_loop3A_476, %parallel_loop3A_477, %parallel_loop3A_478], %parallel_loop3A_481 {strides = array<i32>} : memref<5x256x64xf32, #tpu.memory_space<vmem>>, vector<1x1x16xf32>,
        %parallel_loop3A_482 = arith.constant 3 : i32
        %parallel_loop3A_483 = arith.index_cast %parallel_loop3A_482 : i32 to index
        %parallel_loop3A_484 = arith.index_cast %parallel_loop3A_449 : i32 to index
        %parallel_loop3A_485 = arith.constant 32 : index
        %parallel_loop3A_486 = tpu.vector_load %arg6[%parallel_loop3A_483, %parallel_loop3A_484, %parallel_loop3A_485] {strides = array<i32>} : memref<5x256x64xf32, #tpu.memory_space<vmem>>, vector<1x1x16xf32>,
        %parallel_loop3A_487 = vector.shape_cast %parallel_loop3A_486 : vector<1x1x16xf32> to vector<16xf32>
        %parallel_loop3A_488 = arith.constant 8.000000e+00 : f32
        %parallel_loop3A_489 = vector.broadcast %parallel_loop3A_488 : f32 to vector<16xf32>
        %parallel_loop3A_490 = arith.mulf %parallel_loop3A_487, %parallel_loop3A_489 : vector<16xf32>
        %parallel_loop3A_491 = arith.constant 3 : i32
        %parallel_loop3A_492 = arith.index_cast %parallel_loop3A_491 : i32 to index
        %parallel_loop3A_493 = arith.index_cast %parallel_loop3A_449 : i32 to index
        %parallel_loop3A_494 = arith.constant 32 : index
        %parallel_loop3A_495 = tpu.vector_load %arg6[%parallel_loop3A_492, %parallel_loop3A_493, %parallel_loop3A_494] {strides = array<i32>} : memref<5x256x64xf32, #tpu.memory_space<vmem>>, vector<1x1x16xf32>,
        %parallel_loop3A_496 = vector.shape_cast %parallel_loop3A_495 : vector<1x1x16xf32> to vector<16xf32>
        %parallel_loop3A_497 = vector.shape_cast %parallel_loop3A_490 : vector<16xf32> to vector<1x1x16xf32>
        tpu.vector_store %arg6[%parallel_loop3A_492, %parallel_loop3A_493, %parallel_loop3A_494], %parallel_loop3A_497 {strides = array<i32>} : memref<5x256x64xf32, #tpu.memory_space<vmem>>, vector<1x1x16xf32>,
        %parallel_loop3A_498 = arith.constant 3 : i32
        %parallel_loop3A_499 = arith.index_cast %parallel_loop3A_498 : i32 to index
        %parallel_loop3A_500 = arith.index_cast %parallel_loop3A_449 : i32 to index
        %parallel_loop3A_501 = arith.constant 48 : index
        %parallel_loop3A_502 = tpu.vector_load %arg6[%parallel_loop3A_499, %parallel_loop3A_500, %parallel_loop3A_501] {strides = array<i32>} : memref<5x256x64xf32, #tpu.memory_space<vmem>>, vector<1x1x16xf32>,
        %parallel_loop3A_503 = vector.shape_cast %parallel_loop3A_502 : vector<1x1x16xf32> to vector<16xf32>
        %parallel_loop3A_504 = arith.constant 8.000000e+00 : f32
        %parallel_loop3A_505 = vector.broadcast %parallel_loop3A_504 : f32 to vector<16xf32>
        %parallel_loop3A_506 = arith.mulf %parallel_loop3A_503, %parallel_loop3A_505 : vector<16xf32>
        %parallel_loop3A_507 = arith.constant 3 : i32
        %parallel_loop3A_508 = arith.index_cast %parallel_loop3A_507 : i32 to index
        %parallel_loop3A_509 = arith.index_cast %parallel_loop3A_449 : i32 to index
        %parallel_loop3A_510 = arith.constant 48 : index
        %parallel_loop3A_511 = tpu.vector_load %arg6[%parallel_loop3A_508, %parallel_loop3A_509, %parallel_loop3A_510] {strides = array<i32>} : memref<5x256x64xf32, #tpu.memory_space<vmem>>, vector<1x1x16xf32>,
        %parallel_loop3A_512 = vector.shape_cast %parallel_loop3A_511 : vector<1x1x16xf32> to vector<16xf32>
        %parallel_loop3A_513 = vector.shape_cast %parallel_loop3A_506 : vector<16xf32> to vector<1x1x16xf32>
        tpu.vector_store %arg6[%parallel_loop3A_508, %parallel_loop3A_509, %parallel_loop3A_510], %parallel_loop3A_513 {strides = array<i32>} : memref<5x256x64xf32, #tpu.memory_space<vmem>>, vector<1x1x16xf32>,
      } {sc.loop_unroll_factor = 8 : i64, sc.parallel_access}
      %mul3A_388 = arith.constant 256 : i32
      %mul3A_389 = arith.muli %add3A_362, %mul3A_388 : i32
      %add3A_390 = arith.addi %mul3A_2, %mul3A_389 : i32
      %dma_start3A_391 = arith.constant 3 : i32
      %dma_start3A_392 = arith.constant 0 : i32
      %dma_start3A_393 = arith.constant 0 : i32
      %dma_start3A_394 = tpu.memref_slice %arg6[%dma_start3A_391, %dma_start3A_392, %dma_start3A_393] : memref<5x256x64xf32, #tpu.memory_space<vmem>> -> memref<1x256x64xf32, #tpu.memory_space<vmem>>
      %dma_start3A_395 = tpu.memref_squeeze %dma_start3A_394 : memref<1x256x64xf32, #tpu.memory_space<vmem>> -> memref<256x64xf32, #tpu.memory_space<vmem>>
      %dma_start3A_396 = arith.constant 0 : i32
      %dma_start3A_397 = tpu.memref_slice %arg4[%add3A_390, %dma_start3A_396] : memref<819200x64xf32, #tpu.memory_space<hbm>> -> memref<256x64xf32, #tpu.memory_space<hbm>>
      %dma_start3A_398 = arith.constant 0 : i32
      %dma_start3A_399 = tpu.memref_slice %arg4[%add3A_390, %dma_start3A_398] : memref<819200x64xf32, #tpu.memory_space<hbm>> -> memref<256x64xf32, #tpu.memory_space<hbm>>
      %dma_start3A_400 = arith.constant 0 : i32
      %dma_start3A_401 = arith.constant 0 : i32
      %dma_start3A_402 = tpu.memref_slice %arg6[%dma_start3A_391, %dma_start3A_400, %dma_start3A_401] : memref<5x256x64xf32, #tpu.memory_space<vmem>> -> memref<1x256x64xf32, #tpu.memory_space<vmem>>
      %dma_start3A_403 = tpu.memref_squeeze %dma_start3A_402 : memref<1x256x64xf32, #tpu.memory_space<vmem>> -> memref<256x64xf32, #tpu.memory_space<vmem>>
      tpu.enqueue_dma source(%dma_start3A_403 : memref<256x64xf32, #tpu.memory_space<vmem>>) target(%dma_start3A_399 : memref<256x64xf32, #tpu.memory_space<hbm>>) target_semaphore(%arg20 : memref<!tpu.dma_semaphore, #tpu.memory_space<semaphore_mem>>)
      %mul3A_404 = arith.constant 5 : i32
      %mul3A_405 = arith.muli %scan3A_227, %mul3A_404 : i32
      %add3A_406 = arith.constant 4 : i32
      %add3A_407 = arith.addi %mul3A_405, %add3A_406 : i32
      %dma_wait3A_408 = arith.constant 4 : i32
      %dma_wait3A_409 = arith.constant 0 : i32
      %dma_wait3A_410 = arith.constant 0 : i32
      %dma_wait3A_411 = tpu.memref_slice %arg6[%dma_wait3A_408, %dma_wait3A_409, %dma_wait3A_410] : memref<5x256x64xf32, #tpu.memory_space<vmem>> -> memref<1x256x64xf32, #tpu.memory_space<vmem>>
      %dma_wait3A_412 = tpu.memref_squeeze %dma_wait3A_411 : memref<1x256x64xf32, #tpu.memory_space<vmem>> -> memref<256x64xf32, #tpu.memory_space<vmem>>
      %dma_wait3A_413 = arith.constant 0 : i32
      %dma_wait3A_414 = arith.constant 0 : i32
      %dma_wait3A_415 = tpu.memref_slice %arg3[%dma_wait3A_413, %dma_wait3A_414] : memref<1000000x64xf32, #tpu.memory_space<hbm>> -> memref<256x64xf32, #tpu.memory_space<hbm>>
      %dma_wait3A_416 = arith.constant 0 : i32
      %dma_wait3A_417 = arith.constant 0 : i32
      %dma_wait3A_418 = tpu.memref_slice %arg6[%dma_wait3A_408, %dma_wait3A_416, %dma_wait3A_417] : memref<5x256x64xf32, #tpu.memory_space<vmem>> -> memref<1x256x64xf32, #tpu.memory_space<vmem>>
      %dma_wait3A_419 = tpu.memref_squeeze %dma_wait3A_418 : memref<1x256x64xf32, #tpu.memory_space<vmem>> -> memref<256x64xf32, #tpu.memory_space<vmem>>
      %dma_wait3A_420 = arith.constant 0 : i32
      %dma_wait3A_421 = arith.constant 0 : i32
      %dma_wait3A_422 = tpu.memref_slice %arg3[%dma_wait3A_420, %dma_wait3A_421] : memref<1000000x64xf32, #tpu.memory_space<hbm>> -> memref<256x64xf32, #tpu.memory_space<hbm>>
      tpu.wait_dma2 semaphore(%arg16 : memref<!tpu.dma_semaphore, #tpu.memory_space<semaphore_mem>>) src(%dma_wait3A_422 : memref<256x64xf32, #tpu.memory_space<hbm>>) dst(%dma_wait3A_419 : memref<256x64xf32, #tpu.memory_space<vmem>>)
      %add3A_423 = arith.constant 4 : i32
      %add3A_424 = arith.addi %add3A_407, %add3A_423 : i32
      %lt3A_425 = arith.constant 100 : i32
      %lt3A_426 = arith.cmpi slt, %add3A_424, %lt3A_425 : i32
      %convert_element_type3A_427 = arith.extui %lt3A_426 : i1 to i32
      %cond3A_428 = arith.constant 0 : i32
      %cond3A_429 = arith.cmpi ne, %convert_element_type3A_427, %cond3A_428 : i32
      scf.if %cond3A_429 {
        %dma_wait3A_449 = arith.constant 3 : i32
        %dma_wait3A_450 = arith.constant 0 : i32
        %dma_wait3A_451 = tpu.memref_slice %arg5[%dma_wait3A_449, %dma_wait3A_450] : memref<5x256xi32, #tpu.memory_space<vmem>> -> memref<1x256xi32, #tpu.memory_space<vmem>>
        %dma_wait3A_452 = tpu.memref_squeeze %dma_wait3A_451 : memref<1x256xi32, #tpu.memory_space<vmem>> -> memref<256xi32, #tpu.memory_space<vmem>>
        %dma_wait3A_453 = arith.constant 0 : i32
        %dma_wait3A_454 = tpu.memref_slice %arg2[%dma_wait3A_453] : memref<819200xi32, #tpu.memory_space<hbm>> -> memref<256xi32, #tpu.memory_space<hbm>>
        %dma_wait3A_455 = arith.constant 0 : i32
        %dma_wait3A_456 = tpu.memref_slice %arg5[%dma_wait3A_449, %dma_wait3A_455] : memref<5x256xi32, #tpu.memory_space<vmem>> -> memref<1x256xi32, #tpu.memory_space<vmem>>
        %dma_wait3A_457 = tpu.memref_squeeze %dma_wait3A_456 : memref<1x256xi32, #tpu.memory_space<vmem>> -> memref<256xi32, #tpu.memory_space<vmem>>
        %dma_wait3A_458 = arith.constant 0 : i32
        %dma_wait3A_459 = tpu.memref_slice %arg2[%dma_wait3A_458] : memref<819200xi32, #tpu.memory_space<hbm>> -> memref<256xi32, #tpu.memory_space<hbm>>
        tpu.wait_dma2 semaphore(%arg10 : memref<!tpu.dma_semaphore, #tpu.memory_space<semaphore_mem>>) src(%dma_wait3A_459 : memref<256xi32, #tpu.memory_space<hbm>>) dst(%dma_wait3A_457 : memref<256xi32, #tpu.memory_space<vmem>>)
        %ge3A = arith.constant 1 : i32
        %ge3A_460 = arith.cmpi sge, %add3A_407, %ge3A : i32
        %convert_element_type3A_461 = arith.extui %ge3A_460 : i1 to i32
        %cond3A_462 = arith.constant 0 : i32
        %cond3A_463 = arith.cmpi ne, %convert_element_type3A_461, %cond3A_462 : i32
        scf.if %cond3A_463 {
          %dma_wait3A_485 = arith.constant 3 : i32
          %dma_wait3A_486 = arith.constant 0 : i32
          %dma_wait3A_487 = arith.constant 0 : i32
          %dma_wait3A_488 = tpu.memref_slice %arg6[%dma_wait3A_485, %dma_wait3A_486, %dma_wait3A_487] : memref<5x256x64xf32, #tpu.memory_space<vmem>> -> memref<1x256x64xf32, #tpu.memory_space<vmem>>
          %dma_wait3A_489 = tpu.memref_squeeze %dma_wait3A_488 : memref<1x256x64xf32, #tpu.memory_space<vmem>> -> memref<256x64xf32, #tpu.memory_space<vmem>>
          %dma_wait3A_490 = arith.constant 0 : i32
          %dma_wait3A_491 = arith.constant 0 : i32
          %dma_wait3A_492 = tpu.memref_slice %arg4[%dma_wait3A_490, %dma_wait3A_491] : memref<819200x64xf32, #tpu.memory_space<hbm>> -> memref<256x64xf32, #tpu.memory_space<hbm>>
          %dma_wait3A_493 = arith.constant 0 : i32
          %dma_wait3A_494 = arith.constant 0 : i32
          %dma_wait3A_495 = tpu.memref_slice %arg4[%dma_wait3A_493, %dma_wait3A_494] : memref<819200x64xf32, #tpu.memory_space<hbm>> -> memref<256x64xf32, #tpu.memory_space<hbm>>
          %dma_wait3A_496 = arith.constant 0 : i32
          %dma_wait3A_497 = arith.constant 0 : i32
          %dma_wait3A_498 = tpu.memref_slice %arg6[%dma_wait3A_485, %dma_wait3A_496, %dma_wait3A_497] : memref<5x256x64xf32, #tpu.memory_space<vmem>> -> memref<1x256x64xf32, #tpu.memory_space<vmem>>
          %dma_wait3A_499 = tpu.memref_squeeze %dma_wait3A_498 : memref<1x256x64xf32, #tpu.memory_space<vmem>> -> memref<256x64xf32, #tpu.memory_space<vmem>>
          tpu.wait_dma2 semaphore(%arg20 : memref<!tpu.dma_semaphore, #tpu.memory_space<semaphore_mem>>) src(%dma_wait3A_499 : memref<256x64xf32, #tpu.memory_space<vmem>>) dst(%dma_wait3A_495 : memref<256x64xf32, #tpu.memory_space<hbm>>)
        } else {
        }
        %dma_start3A_464 = arith.constant 3 : i32
        %dma_start3A_465 = arith.constant 3 : i32
        %dma_start3A_466 = arith.constant 0 : i32
        %dma_start3A_467 = arith.constant 0 : i32
        %dma_start3A_468 = tpu.memref_slice %arg6[%dma_start3A_465, %dma_start3A_466, %dma_start3A_467] : memref<5x256x64xf32, #tpu.memory_space<vmem>> -> memref<1x256x64xf32, #tpu.memory_space<vmem>>
        %dma_start3A_469 = tpu.memref_squeeze %dma_start3A_468 : memref<1x256x64xf32, #tpu.memory_space<vmem>> -> memref<256x64xf32, #tpu.memory_space<vmem>>
        %dma_start3A_470 = arith.constant 0 : i32
        %dma_start3A_471 = tpu.memref_slice %arg5[%dma_start3A_464, %dma_start3A_470] : memref<5x256xi32, #tpu.memory_space<vmem>> -> memref<1x256xi32, #tpu.memory_space<vmem>>
        %dma_start3A_472 = tpu.memref_squeeze %dma_start3A_471 : memref<1x256xi32, #tpu.memory_space<vmem>> -> memref<256xi32, #tpu.memory_space<vmem>>
        %dma_start3A_473 = arith.constant 0 : i32
        %dma_start3A_474 = arith.constant 0 : i32
        %dma_start3A_475 = tpu.memref_slice %arg3[%dma_start3A_473, %dma_start3A_474] : memref<1000000x64xf32, #tpu.memory_space<hbm>> -> memref<1000000x64xf32, #tpu.memory_space<hbm>>
        tpu.enqueue_indirect_dma source(%dma_start3A_475 : memref<1000000x64xf32, #tpu.memory_space<hbm>>) target(%dma_start3A_469 : memref<256x64xf32, #tpu.memory_space<vmem>>) offsets(%dma_start3A_472 : memref<256xi32, #tpu.memory_space<vmem>>) semaphore(%arg15 : memref<!tpu.dma_semaphore, #tpu.memory_space<semaphore_mem>>)
        %add3A_476 = arith.constant 4 : i32
        %add3A_477 = arith.addi %add3A_407, %add3A_476 : i32
        %add3A_478 = arith.constant 1 : i32
        %add3A_479 = arith.addi %add3A_477, %add3A_478 : i32
        %lt3A_480 = arith.constant 100 : i32
        %lt3A_481 = arith.cmpi slt, %add3A_479, %lt3A_480 : i32
        %convert_element_type3A_482 = arith.extui %lt3A_481 : i1 to i32
        %cond3A_483 = arith.constant 0 : i32
        %cond3A_484 = arith.cmpi ne, %convert_element_type3A_482, %cond3A_483 : i32
        scf.if %cond3A_484 {
          %add3A_485 = arith.constant 4 : i32
          %add3A_486 = arith.addi %add3A_407, %add3A_485 : i32
          %add3A_487 = arith.constant 1 : i32
          %add3A_488 = arith.addi %add3A_486, %add3A_487 : i32
          %mul3A_489 = arith.constant 256 : i32
          %mul3A_490 = arith.muli %add3A_488, %mul3A_489 : i32
          %add3A_491 = arith.addi %mul3A_2, %mul3A_490 : i32
          %dma_start3A_492 = arith.constant 4 : i32
          %dma_start3A_493 = arith.constant 0 : i32
          %dma_start3A_494 = tpu.memref_slice %arg5[%dma_start3A_492, %dma_start3A_493] : memref<5x256xi32, #tpu.memory_space<vmem>> -> memref<1x256xi32, #tpu.memory_space<vmem>>
          %dma_start3A_495 = tpu.memref_squeeze %dma_start3A_494 : memref<1x256xi32, #tpu.memory_space<vmem>> -> memref<256xi32, #tpu.memory_space<vmem>>
          %dma_start3A_496 = tpu.memref_slice %arg2[%add3A_491] : memref<819200xi32, #tpu.memory_space<hbm>> -> memref<256xi32, #tpu.memory_space<hbm>>
          %dma_start3A_497 = arith.constant 0 : i32
          %dma_start3A_498 = tpu.memref_slice %arg5[%dma_start3A_492, %dma_start3A_497] : memref<5x256xi32, #tpu.memory_space<vmem>> -> memref<1x256xi32, #tpu.memory_space<vmem>>
          %dma_start3A_499 = tpu.memref_squeeze %dma_start3A_498 : memref<1x256xi32, #tpu.memory_space<vmem>> -> memref<256xi32, #tpu.memory_space<vmem>>
          %dma_start3A_500 = tpu.memref_slice %arg2[%add3A_491] : memref<819200xi32, #tpu.memory_space<hbm>> -> memref<256xi32, #tpu.memory_space<hbm>>
          tpu.enqueue_dma source(%dma_start3A_500 : memref<256xi32, #tpu.memory_space<hbm>>) target(%dma_start3A_499 : memref<256xi32, #tpu.memory_space<vmem>>) target_semaphore(%arg11 : memref<!tpu.dma_semaphore, #tpu.memory_space<semaphore_mem>>)
        } else {
        }
      } else {
      }
      %parallel_loop3A_430 = arith.constant 0 : i32
      %parallel_loop3A_431 = arith.constant 256 : i32
      %parallel_loop3A_432 = arith.constant 1 : i32
      scf.for %parallel_loop3A_449 = %parallel_loop3A_430 to %parallel_loop3A_431 step %parallel_loop3A_432  : i32 {
        %parallel_loop3A_450 = arith.constant 4 : i32
        %parallel_loop3A_451 = arith.index_cast %parallel_loop3A_450 : i32 to index
        %parallel_loop3A_452 = arith.index_cast %parallel_loop3A_449 : i32 to index
        %parallel_loop3A_453 = arith.constant 0 : index
        %parallel_loop3A_454 = tpu.vector_load %arg6[%parallel_loop3A_451, %parallel_loop3A_452, %parallel_loop3A_453] {strides = array<i32>} : memref<5x256x64xf32, #tpu.memory_space<vmem>>, vector<1x1x16xf32>,
        %parallel_loop3A_455 = vector.shape_cast %parallel_loop3A_454 : vector<1x1x16xf32> to vector<16xf32>
        %parallel_loop3A_456 = arith.constant 8.000000e+00 : f32
        %parallel_loop3A_457 = vector.broadcast %parallel_loop3A_456 : f32 to vector<16xf32>
        %parallel_loop3A_458 = arith.mulf %parallel_loop3A_455, %parallel_loop3A_457 : vector<16xf32>
        %parallel_loop3A_459 = arith.constant 4 : i32
        %parallel_loop3A_460 = arith.index_cast %parallel_loop3A_459 : i32 to index
        %parallel_loop3A_461 = arith.index_cast %parallel_loop3A_449 : i32 to index
        %parallel_loop3A_462 = arith.constant 0 : index
        %parallel_loop3A_463 = tpu.vector_load %arg6[%parallel_loop3A_460, %parallel_loop3A_461, %parallel_loop3A_462] {strides = array<i32>} : memref<5x256x64xf32, #tpu.memory_space<vmem>>, vector<1x1x16xf32>,
        %parallel_loop3A_464 = vector.shape_cast %parallel_loop3A_463 : vector<1x1x16xf32> to vector<16xf32>
        %parallel_loop3A_465 = vector.shape_cast %parallel_loop3A_458 : vector<16xf32> to vector<1x1x16xf32>
        tpu.vector_store %arg6[%parallel_loop3A_460, %parallel_loop3A_461, %parallel_loop3A_462], %parallel_loop3A_465 {strides = array<i32>} : memref<5x256x64xf32, #tpu.memory_space<vmem>>, vector<1x1x16xf32>,
        %parallel_loop3A_466 = arith.constant 4 : i32
        %parallel_loop3A_467 = arith.index_cast %parallel_loop3A_466 : i32 to index
        %parallel_loop3A_468 = arith.index_cast %parallel_loop3A_449 : i32 to index
        %parallel_loop3A_469 = arith.constant 16 : index
        %parallel_loop3A_470 = tpu.vector_load %arg6[%parallel_loop3A_467, %parallel_loop3A_468, %parallel_loop3A_469] {strides = array<i32>} : memref<5x256x64xf32, #tpu.memory_space<vmem>>, vector<1x1x16xf32>,
        %parallel_loop3A_471 = vector.shape_cast %parallel_loop3A_470 : vector<1x1x16xf32> to vector<16xf32>
        %parallel_loop3A_472 = arith.constant 8.000000e+00 : f32
        %parallel_loop3A_473 = vector.broadcast %parallel_loop3A_472 : f32 to vector<16xf32>
        %parallel_loop3A_474 = arith.mulf %parallel_loop3A_471, %parallel_loop3A_473 : vector<16xf32>
        %parallel_loop3A_475 = arith.constant 4 : i32
        %parallel_loop3A_476 = arith.index_cast %parallel_loop3A_475 : i32 to index
        %parallel_loop3A_477 = arith.index_cast %parallel_loop3A_449 : i32 to index
        %parallel_loop3A_478 = arith.constant 16 : index
        %parallel_loop3A_479 = tpu.vector_load %arg6[%parallel_loop3A_476, %parallel_loop3A_477, %parallel_loop3A_478] {strides = array<i32>} : memref<5x256x64xf32, #tpu.memory_space<vmem>>, vector<1x1x16xf32>,
        %parallel_loop3A_480 = vector.shape_cast %parallel_loop3A_479 : vector<1x1x16xf32> to vector<16xf32>
        %parallel_loop3A_481 = vector.shape_cast %parallel_loop3A_474 : vector<16xf32> to vector<1x1x16xf32>
        tpu.vector_store %arg6[%parallel_loop3A_476, %parallel_loop3A_477, %parallel_loop3A_478], %parallel_loop3A_481 {strides = array<i32>} : memref<5x256x64xf32, #tpu.memory_space<vmem>>, vector<1x1x16xf32>,
        %parallel_loop3A_482 = arith.constant 4 : i32
        %parallel_loop3A_483 = arith.index_cast %parallel_loop3A_482 : i32 to index
        %parallel_loop3A_484 = arith.index_cast %parallel_loop3A_449 : i32 to index
        %parallel_loop3A_485 = arith.constant 32 : index
        %parallel_loop3A_486 = tpu.vector_load %arg6[%parallel_loop3A_483, %parallel_loop3A_484, %parallel_loop3A_485] {strides = array<i32>} : memref<5x256x64xf32, #tpu.memory_space<vmem>>, vector<1x1x16xf32>,
        %parallel_loop3A_487 = vector.shape_cast %parallel_loop3A_486 : vector<1x1x16xf32> to vector<16xf32>
        %parallel_loop3A_488 = arith.constant 8.000000e+00 : f32
        %parallel_loop3A_489 = vector.broadcast %parallel_loop3A_488 : f32 to vector<16xf32>
        %parallel_loop3A_490 = arith.mulf %parallel_loop3A_487, %parallel_loop3A_489 : vector<16xf32>
        %parallel_loop3A_491 = arith.constant 4 : i32
        %parallel_loop3A_492 = arith.index_cast %parallel_loop3A_491 : i32 to index
        %parallel_loop3A_493 = arith.index_cast %parallel_loop3A_449 : i32 to index
        %parallel_loop3A_494 = arith.constant 32 : index
        %parallel_loop3A_495 = tpu.vector_load %arg6[%parallel_loop3A_492, %parallel_loop3A_493, %parallel_loop3A_494] {strides = array<i32>} : memref<5x256x64xf32, #tpu.memory_space<vmem>>, vector<1x1x16xf32>,
        %parallel_loop3A_496 = vector.shape_cast %parallel_loop3A_495 : vector<1x1x16xf32> to vector<16xf32>
        %parallel_loop3A_497 = vector.shape_cast %parallel_loop3A_490 : vector<16xf32> to vector<1x1x16xf32>
        tpu.vector_store %arg6[%parallel_loop3A_492, %parallel_loop3A_493, %parallel_loop3A_494], %parallel_loop3A_497 {strides = array<i32>} : memref<5x256x64xf32, #tpu.memory_space<vmem>>, vector<1x1x16xf32>,
        %parallel_loop3A_498 = arith.constant 4 : i32
        %parallel_loop3A_499 = arith.index_cast %parallel_loop3A_498 : i32 to index
        %parallel_loop3A_500 = arith.index_cast %parallel_loop3A_449 : i32 to index
        %parallel_loop3A_501 = arith.constant 48 : index
        %parallel_loop3A_502 = tpu.vector_load %arg6[%parallel_loop3A_499, %parallel_loop3A_500, %parallel_loop3A_501] {strides = array<i32>} : memref<5x256x64xf32, #tpu.memory_space<vmem>>, vector<1x1x16xf32>,
        %parallel_loop3A_503 = vector.shape_cast %parallel_loop3A_502 : vector<1x1x16xf32> to vector<16xf32>
        %parallel_loop3A_504 = arith.constant 8.000000e+00 : f32
        %parallel_loop3A_505 = vector.broadcast %parallel_loop3A_504 : f32 to vector<16xf32>
        %parallel_loop3A_506 = arith.mulf %parallel_loop3A_503, %parallel_loop3A_505 : vector<16xf32>
        %parallel_loop3A_507 = arith.constant 4 : i32
        %parallel_loop3A_508 = arith.index_cast %parallel_loop3A_507 : i32 to index
        %parallel_loop3A_509 = arith.index_cast %parallel_loop3A_449 : i32 to index
        %parallel_loop3A_510 = arith.constant 48 : index
        %parallel_loop3A_511 = tpu.vector_load %arg6[%parallel_loop3A_508, %parallel_loop3A_509, %parallel_loop3A_510] {strides = array<i32>} : memref<5x256x64xf32, #tpu.memory_space<vmem>>, vector<1x1x16xf32>,
        %parallel_loop3A_512 = vector.shape_cast %parallel_loop3A_511 : vector<1x1x16xf32> to vector<16xf32>
        %parallel_loop3A_513 = vector.shape_cast %parallel_loop3A_506 : vector<16xf32> to vector<1x1x16xf32>
        tpu.vector_store %arg6[%parallel_loop3A_508, %parallel_loop3A_509, %parallel_loop3A_510], %parallel_loop3A_513 {strides = array<i32>} : memref<5x256x64xf32, #tpu.memory_space<vmem>>, vector<1x1x16xf32>,
      } {sc.loop_unroll_factor = 8 : i64, sc.parallel_access}
      %mul3A_433 = arith.constant 256 : i32
      %mul3A_434 = arith.muli %add3A_407, %mul3A_433 : i32
      %add3A_435 = arith.addi %mul3A_2, %mul3A_434 : i32
      %dma_start3A_436 = arith.constant 4 : i32
      %dma_start3A_437 = arith.constant 0 : i32
      %dma_start3A_438 = arith.constant 0 : i32
      %dma_start3A_439 = tpu.memref_slice %arg6[%dma_start3A_436, %dma_start3A_437, %dma_start3A_438] : memref<5x256x64xf32, #tpu.memory_space<vmem>> -> memref<1x256x64xf32, #tpu.memory_space<vmem>>
      %dma_start3A_440 = tpu.memref_squeeze %dma_start3A_439 : memref<1x256x64xf32, #tpu.memory_space<vmem>> -> memref<256x64xf32, #tpu.memory_space<vmem>>
      %dma_start3A_441 = arith.constant 0 : i32
      %dma_start3A_442 = tpu.memref_slice %arg4[%add3A_435, %dma_start3A_441] : memref<819200x64xf32, #tpu.memory_space<hbm>> -> memref<256x64xf32, #tpu.memory_space<hbm>>
      %dma_start3A_443 = arith.constant 0 : i32
      %dma_start3A_444 = tpu.memref_slice %arg4[%add3A_435, %dma_start3A_443] : memref<819200x64xf32, #tpu.memory_space<hbm>> -> memref<256x64xf32, #tpu.memory_space<hbm>>
      %dma_start3A_445 = arith.constant 0 : i32
      %dma_start3A_446 = arith.constant 0 : i32
      %dma_start3A_447 = tpu.memref_slice %arg6[%dma_start3A_436, %dma_start3A_445, %dma_start3A_446] : memref<5x256x64xf32, #tpu.memory_space<vmem>> -> memref<1x256x64xf32, #tpu.memory_space<vmem>>
      %dma_start3A_448 = tpu.memref_squeeze %dma_start3A_447 : memref<1x256x64xf32, #tpu.memory_space<vmem>> -> memref<256x64xf32, #tpu.memory_space<vmem>>
      tpu.enqueue_dma source(%dma_start3A_448 : memref<256x64xf32, #tpu.memory_space<vmem>>) target(%dma_start3A_444 : memref<256x64xf32, #tpu.memory_space<hbm>>) target_semaphore(%arg21 : memref<!tpu.dma_semaphore, #tpu.memory_space<semaphore_mem>>)
    }
    %scan3A_151 = arith.constant 20 : i32
    %dma_wait3A_152 = arith.constant 0 : i32
    %dma_wait3A_153 = arith.constant 0 : i32
    %dma_wait3A_154 = arith.constant 0 : i32
    %dma_wait3A_155 = tpu.memref_slice %arg6[%dma_wait3A_152, %dma_wait3A_153, %dma_wait3A_154] : memref<5x256x64xf32, #tpu.memory_space<vmem>> -> memref<1x256x64xf32, #tpu.memory_space<vmem>>
    %dma_wait3A_156 = tpu.memref_squeeze %dma_wait3A_155 : memref<1x256x64xf32, #tpu.memory_space<vmem>> -> memref<256x64xf32, #tpu.memory_space<vmem>>
    %dma_wait3A_157 = arith.constant 0 : i32
    %dma_wait3A_158 = arith.constant 0 : i32
    %dma_wait3A_159 = tpu.memref_slice %arg4[%dma_wait3A_157, %dma_wait3A_158] : memref<819200x64xf32, #tpu.memory_space<hbm>> -> memref<256x64xf32, #tpu.memory_space<hbm>>
    %dma_wait3A_160 = arith.constant 0 : i32
    %dma_wait3A_161 = arith.constant 0 : i32
    %dma_wait3A_162 = tpu.memref_slice %arg4[%dma_wait3A_160, %dma_wait3A_161] : memref<819200x64xf32, #tpu.memory_space<hbm>> -> memref<256x64xf32, #tpu.memory_space<hbm>>
    %dma_wait3A_163 = arith.constant 0 : i32
    %dma_wait3A_164 = arith.constant 0 : i32
    %dma_wait3A_165 = tpu.memref_slice %arg6[%dma_wait3A_152, %dma_wait3A_163, %dma_wait3A_164] : memref<5x256x64xf32, #tpu.memory_space<vmem>> -> memref<1x256x64xf32, #tpu.memory_space<vmem>>
    %dma_wait3A_166 = tpu.memref_squeeze %dma_wait3A_165 : memref<1x256x64xf32, #tpu.memory_space<vmem>> -> memref<256x64xf32, #tpu.memory_space<vmem>>
    tpu.wait_dma2 semaphore(%arg17 : memref<!tpu.dma_semaphore, #tpu.memory_space<semaphore_mem>>) src(%dma_wait3A_166 : memref<256x64xf32, #tpu.memory_space<vmem>>) dst(%dma_wait3A_162 : memref<256x64xf32, #tpu.memory_space<hbm>>)
    %dma_wait3A_167 = arith.constant 1 : i32
    %dma_wait3A_168 = arith.constant 0 : i32
    %dma_wait3A_169 = arith.constant 0 : i32
    %dma_wait3A_170 = tpu.memref_slice %arg6[%dma_wait3A_167, %dma_wait3A_168, %dma_wait3A_169] : memref<5x256x64xf32, #tpu.memory_space<vmem>> -> memref<1x256x64xf32, #tpu.memory_space<vmem>>
    %dma_wait3A_171 = tpu.memref_squeeze %dma_wait3A_170 : memref<1x256x64xf32, #tpu.memory_space<vmem>> -> memref<256x64xf32, #tpu.memory_space<vmem>>
    %dma_wait3A_172 = arith.constant 0 : i32
    %dma_wait3A_173 = arith.constant 0 : i32
    %dma_wait3A_174 = tpu.memref_slice %arg4[%dma_wait3A_172, %dma_wait3A_173] : memref<819200x64xf32, #tpu.memory_space<hbm>> -> memref<256x64xf32, #tpu.memory_space<hbm>>
    %dma_wait3A_175 = arith.constant 0 : i32
    %dma_wait3A_176 = arith.constant 0 : i32
    %dma_wait3A_177 = tpu.memref_slice %arg4[%dma_wait3A_175, %dma_wait3A_176] : memref<819200x64xf32, #tpu.memory_space<hbm>> -> memref<256x64xf32, #tpu.memory_space<hbm>>
    %dma_wait3A_178 = arith.constant 0 : i32
    %dma_wait3A_179 = arith.constant 0 : i32
    %dma_wait3A_180 = tpu.memref_slice %arg6[%dma_wait3A_167, %dma_wait3A_178, %dma_wait3A_179] : memref<5x256x64xf32, #tpu.memory_space<vmem>> -> memref<1x256x64xf32, #tpu.memory_space<vmem>>
    %dma_wait3A_181 = tpu.memref_squeeze %dma_wait3A_180 : memref<1x256x64xf32, #tpu.memory_space<vmem>> -> memref<256x64xf32, #tpu.memory_space<vmem>>
    tpu.wait_dma2 semaphore(%arg18 : memref<!tpu.dma_semaphore, #tpu.memory_space<semaphore_mem>>) src(%dma_wait3A_181 : memref<256x64xf32, #tpu.memory_space<vmem>>) dst(%dma_wait3A_177 : memref<256x64xf32, #tpu.memory_space<hbm>>)
    %dma_wait3A_182 = arith.constant 2 : i32
    %dma_wait3A_183 = arith.constant 0 : i32
    %dma_wait3A_184 = arith.constant 0 : i32
    %dma_wait3A_185 = tpu.memref_slice %arg6[%dma_wait3A_182, %dma_wait3A_183, %dma_wait3A_184] : memref<5x256x64xf32, #tpu.memory_space<vmem>> -> memref<1x256x64xf32, #tpu.memory_space<vmem>>
    %dma_wait3A_186 = tpu.memref_squeeze %dma_wait3A_185 : memref<1x256x64xf32, #tpu.memory_space<vmem>> -> memref<256x64xf32, #tpu.memory_space<vmem>>
    %dma_wait3A_187 = arith.constant 0 : i32
    %dma_wait3A_188 = arith.constant 0 : i32
    %dma_wait3A_189 = tpu.memref_slice %arg4[%dma_wait3A_187, %dma_wait3A_188] : memref<819200x64xf32, #tpu.memory_space<hbm>> -> memref<256x64xf32, #tpu.memory_space<hbm>>
    %dma_wait3A_190 = arith.constant 0 : i32
    %dma_wait3A_191 = arith.constant 0 : i32
    %dma_wait3A_192 = tpu.memref_slice %arg4[%dma_wait3A_190, %dma_wait3A_191] : memref<819200x64xf32, #tpu.memory_space<hbm>> -> memref<256x64xf32, #tpu.memory_space<hbm>>
    %dma_wait3A_193 = arith.constant 0 : i32
    %dma_wait3A_194 = arith.constant 0 : i32
    %dma_wait3A_195 = tpu.memref_slice %arg6[%dma_wait3A_182, %dma_wait3A_193, %dma_wait3A_194] : memref<5x256x64xf32, #tpu.memory_space<vmem>> -> memref<1x256x64xf32, #tpu.memory_space<vmem>>
    %dma_wait3A_196 = tpu.memref_squeeze %dma_wait3A_195 : memref<1x256x64xf32, #tpu.memory_space<vmem>> -> memref<256x64xf32, #tpu.memory_space<vmem>>
    tpu.wait_dma2 semaphore(%arg19 : memref<!tpu.dma_semaphore, #tpu.memory_space<semaphore_mem>>) src(%dma_wait3A_196 : memref<256x64xf32, #tpu.memory_space<vmem>>) dst(%dma_wait3A_192 : memref<256x64xf32, #tpu.memory_space<hbm>>)
    %dma_wait3A_197 = arith.constant 3 : i32
    %dma_wait3A_198 = arith.constant 0 : i32
    %dma_wait3A_199 = arith.constant 0 : i32
    %dma_wait3A_200 = tpu.memref_slice %arg6[%dma_wait3A_197, %dma_wait3A_198, %dma_wait3A_199] : memref<5x256x64xf32, #tpu.memory_space<vmem>> -> memref<1x256x64xf32, #tpu.memory_space<vmem>>
    %dma_wait3A_201 = tpu.memref_squeeze %dma_wait3A_200 : memref<1x256x64xf32, #tpu.memory_space<vmem>> -> memref<256x64xf32, #tpu.memory_space<vmem>>
    %dma_wait3A_202 = arith.constant 0 : i32
    %dma_wait3A_203 = arith.constant 0 : i32
    %dma_wait3A_204 = tpu.memref_slice %arg4[%dma_wait3A_202, %dma_wait3A_203] : memref<819200x64xf32, #tpu.memory_space<hbm>> -> memref<256x64xf32, #tpu.memory_space<hbm>>
    %dma_wait3A_205 = arith.constant 0 : i32
    %dma_wait3A_206 = arith.constant 0 : i32
    %dma_wait3A_207 = tpu.memref_slice %arg4[%dma_wait3A_205, %dma_wait3A_206] : memref<819200x64xf32, #tpu.memory_space<hbm>> -> memref<256x64xf32, #tpu.memory_space<hbm>>
    %dma_wait3A_208 = arith.constant 0 : i32
    %dma_wait3A_209 = arith.constant 0 : i32
    %dma_wait3A_210 = tpu.memref_slice %arg6[%dma_wait3A_197, %dma_wait3A_208, %dma_wait3A_209] : memref<5x256x64xf32, #tpu.memory_space<vmem>> -> memref<1x256x64xf32, #tpu.memory_space<vmem>>
    %dma_wait3A_211 = tpu.memref_squeeze %dma_wait3A_210 : memref<1x256x64xf32, #tpu.memory_space<vmem>> -> memref<256x64xf32, #tpu.memory_space<vmem>>
    tpu.wait_dma2 semaphore(%arg20 : memref<!tpu.dma_semaphore, #tpu.memory_space<semaphore_mem>>) src(%dma_wait3A_211 : memref<256x64xf32, #tpu.memory_space<vmem>>) dst(%dma_wait3A_207 : memref<256x64xf32, #tpu.memory_space<hbm>>)
    %dma_wait3A_212 = arith.constant 4 : i32
    %dma_wait3A_213 = arith.constant 0 : i32
    %dma_wait3A_214 = arith.constant 0 : i32
    %dma_wait3A_215 = tpu.memref_slice %arg6[%dma_wait3A_212, %dma_wait3A_213, %dma_wait3A_214] : memref<5x256x64xf32, #tpu.memory_space<vmem>> -> memref<1x256x64xf32, #tpu.memory_space<vmem>>
    %dma_wait3A_216 = tpu.memref_squeeze %dma_wait3A_215 : memref<1x256x64xf32, #tpu.memory_space<vmem>> -> memref<256x64xf32, #tpu.memory_space<vmem>>
    %dma_wait3A_217 = arith.constant 0 : i32
    %dma_wait3A_218 = arith.constant 0 : i32
    %dma_wait3A_219 = tpu.memref_slice %arg4[%dma_wait3A_217, %dma_wait3A_218] : memref<819200x64xf32, #tpu.memory_space<hbm>> -> memref<256x64xf32, #tpu.memory_space<hbm>>
    %dma_wait3A_220 = arith.constant 0 : i32
    %dma_wait3A_221 = arith.constant 0 : i32
    %dma_wait3A_222 = tpu.memref_slice %arg4[%dma_wait3A_220, %dma_wait3A_221] : memref<819200x64xf32, #tpu.memory_space<hbm>> -> memref<256x64xf32, #tpu.memory_space<hbm>>
    %dma_wait3A_223 = arith.constant 0 : i32
    %dma_wait3A_224 = arith.constant 0 : i32
    %dma_wait3A_225 = tpu.memref_slice %arg6[%dma_wait3A_212, %dma_wait3A_223, %dma_wait3A_224] : memref<5x256x64xf32, #tpu.memory_space<vmem>> -> memref<1x256x64xf32, #tpu.memory_space<vmem>>
    %dma_wait3A_226 = tpu.memref_squeeze %dma_wait3A_225 : memref<1x256x64xf32, #tpu.memory_space<vmem>> -> memref<256x64xf32, #tpu.memory_space<vmem>>
    tpu.wait_dma2 semaphore(%arg21 : memref<!tpu.dma_semaphore, #tpu.memory_space<semaphore_mem>>) src(%dma_wait3A_226 : memref<256x64xf32, #tpu.memory_space<vmem>>) dst(%dma_wait3A_222 : memref<256x64xf32, #tpu.memory_space<hbm>>)
    return
  }
}

</mosaic_0001>

<sc_bundles>
// kernel: kernel.3.cloned.1.call-start
scs
__scs_entry_jumppad:
0x0: {  	(pc) =	sbr.rel $0x88, $3  }
0x1: {  	(tag) =	ssettag $0x0;
	lr =	simm.s32 $0x1  }
0x2: {  	[smem:$0x3F9F] =	sst lr;
	_ =	strace $0xD0000000  }
0x3: {  	_ = 	snop  }
0x4: {  	_ = 	snop  }
0x5: {  	_ = 	snop  }
0x6: {  	_ = 	snop  }
0x7: {  	_ = 	snop  }
__scs_overlays_trampoline_lowered:
0x8: {  	[smem:$0x3FAE] =	sst s0  }
0x9: {  	[smem:$0x3FAF] =	sst s1  }
0xa: {  	[smem:$0x3FB0] =	sst s2  }
0xb: {  	[smem:$0x3FB1] =	sst s3  }
0xc: {  	[smem:$0x3FB2] =	sst s4  }
0xd: {  	[smem:$0x3FB3] =	sst s5  }
0xe: {  	[smem:$0x3FB4] =	sst s6  }
0xf: {  	[smem:$0x3FB5] =	sst s7  }
0x10: {  	[smem:$0x3FB6] =	sst s8  }
0x11: {  	[smem:$0x3FB7] =	sst s9;
	s0 =	simm.s32 @!p0 $0x0  }
0x12: {  	s1 =	sld [smem:$0x3F9D];
	s0 =	simm.s32 @p0 $0x1  }
0x13: {  	[smem:$0x3FB8] =	sst s0;
	s0 =	simm.s32 @!p1 $0x0  }
0x14: {  	s2 =	sld [smem:$0x3F9C];
	s0 =	simm.s32 @p1 $0x1  }
0x15: {  	[smem:$0x3FB9] =	sst s0;
	s0 =	simm.s32 @!p2 $0x0  }
0x16: {  	s3 =	sld [smem:$0x3FDB];
	s0 =	simm.s32 @p2 $0x1  }
0x17: {  	s4 =	simm.s32 $0x1BF5;
	[smem:$0x3FBB] =	sst s0  }
0x18: {  	s0 =	sld [smem:$0x3F9E];
	_ =	swait.ge [sflag:s4], $0x0  }
0x19: {  	s7 =	sld [smem:$0x3F9F]  }
0x1a: {  	s8 =	sadd.s32 $0xFFFFE003, lr  }
0x1b: {  	s9 =	sadd.s32 $0xFFFFFEF7, lr;
	s5 =	simm.s32 $0xFFFFFFFF;
	p2 =	slt.u32 s8, $0xFFFFF086  }
0x1c: {  	p1 =	slt.u32 s9, $0xF7A;
	s5 =	simm.s32 @!p2 $0x0  }
0x1d: {  	s5 =	simm.s32 @p1 $0x1;
	p0 =	seq.s32 s7, s2  }
0x1e: {  	s7 =	smul.u32 @!p0 $0xF7A, s2;
	p2 =	seq.s32 @!p0 s5, $0x0  }
0x1f: {  	s9 =	smul.u32 $0xF7A, s1;
	s8 =	simm.s32 @!p0 $0x1BF5;
	p2 =	por !p2, p0  }
0x20: {  	[sflag:s8] =	ssyncset.s32 @!p0 $0xFFFFF086;
	s6 =	sadd.s32 @!p0 s3, s7;
	s7 =	simm.s32 @!p0 $0x108  }
0x21: {  	s3 =	sadd.s32 s3, s9;
	s6 =	sadd.s32 @!p0 $0x88, s6;
	s7 =	simm.s32 @p2 $0x1082  }
0x22: {  	[simem:s7], [sflag:s8] =	dma.local @!p0 [hbm:s6], $0xF7A  }
0x23: {  	s9 =	sor.u32 $0xD0000000, s2;
	s6 =	simm.s32 $0x108;
	_ =	swait.ge @!p0 [sflag:s8], $0x0  }
0x24: {  	s3 =	sadd.s32 $0x88, s3;
	s6 =	simm.s32 @!p1 $0x1082;
	[sflag:s4] =	ssyncset.s32 $0xFFFFF086  }
0x25: {  	[simem:s6], [sflag:s4] =	dma.local [hbm:s3], $0xF7A  }
0x26: {  	[smem:$0x3F9F] =	sst s1;
	(tag) =	ssettag s2;
	_ =	strace s9  }
0x27: {  	s1 =	sld [smem:$0x3FAF]  }
0x28: {  	s2 =	sld [smem:$0x3FB0]  }
0x29: {  	s4 =	sld [smem:$0x3FB2]  }
0x2a: {  	p0 =	seq.s32 s5, $0x0;
	s5 =	sld [smem:$0x3FB3]  }
0x2b: {  	s6 =	sld [smem:$0x3FB4]  }
0x2c: {  	s7 =	sld [smem:$0x3FB5]  }
0x2d: {  	s3 =	simm.s32 $0x108;
	s8 =	sld [smem:$0x3FB6]  }
0x2e: {  	s3 =	simm.s32 @!p0 $0x1082;
	s9 =	sld [smem:$0x3FB7]  }
0x2f: {  	lr =	sadd.s32 s0, s3;
	s0 =	sld [smem:$0x3FAE]  }
0x30: {  	s3 =	sld [smem:$0x3FB1]  }
0x31: {  	[smem:$0x3FBA] =	sst s10  }
0x32: {  	s10 =	sld [smem:$0x3FB8];
	_ =	sdelay $0x3  }
0x33: {  	p0 =	seq.s32 s10, $0x1;
	s10 =	sld [smem:$0x3FBA];
	_ =	sdelay $0x3  }
0x34: {  	[smem:$0x3FBA] =	sst s10  }
0x35: {  	s10 =	sld [smem:$0x3FB9];
	_ =	sdelay $0x3  }
0x36: {  	p1 =	seq.s32 s10, $0x1;
	s10 =	sld [smem:$0x3FBA];
	_ =	sdelay $0x3  }
0x37: {  	[smem:$0x3FBA] =	sst s10  }
0x38: {  	s10 =	sld [smem:$0x3FBB]  }
0x39: {  	_ = 	snop;
	(pc) =	sbr.ind lr, $3  }
0x3a: {  	_ = 	snop  }
0x3b: {  	_ = 	snop  }
0x3c: {  	p2 =	seq.s32 s10, $0x1;
	s10 =	sld [smem:$0x3FBA]  }
0x3d: {  	_ =	shalt  }
0x3e: {  	_ =	shalt  }
0x3f: {  	_ =	shalt  }
0x40: {  	_ =	shalt  }
0x41: {  	_ =	shalt  }
0x42: {  	_ =	shalt  }
0x43: {  	_ =	shalt  }
0x44: {  	_ =	shalt  }
0x45: {  	_ =	shalt  }
0x46: {  	_ =	shalt  }
0x47: {  	_ =	shalt  }
0x48: {  	_ =	shalt  }
0x49: {  	_ =	shalt  }
0x4a: {  	_ =	shalt  }
0x4b: {  	_ =	shalt  }
0x4c: {  	_ =	shalt  }
0x4d: {  	_ =	shalt  }
0x4e: {  	_ =	shalt  }
0x4f: {  	_ =	shalt  }
0x50: {  	_ =	shalt  }
0x51: {  	_ =	shalt  }
0x52: {  	_ =	shalt  }
0x53: {  	_ =	shalt  }
0x54: {  	_ =	shalt  }
0x55: {  	_ =	shalt  }
0x56: {  	_ =	shalt  }
0x57: {  	_ =	shalt  }
0x58: {  	_ =	shalt  }
0x59: {  	_ =	shalt  }
0x5a: {  	_ =	shalt  }
0x5b: {  	_ =	shalt  }
0x5c: {  	_ =	shalt  }
0x5d: {  	_ =	shalt  }
0x5e: {  	_ =	shalt  }
0x5f: {  	_ =	shalt  }
0x60: {  	_ =	shalt  }
0x61: {  	_ =	shalt  }
0x62: {  	_ =	shalt  }
0x63: {  	_ =	shalt  }
0x64: {  	_ =	shalt  }
0x65: {  	_ =	shalt  }
0x66: {  	_ =	shalt  }
0x67: {  	_ =	shalt  }
0x68: {  	_ =	shalt  }
0x69: {  	_ =	shalt  }
0x6a: {  	_ =	shalt  }
0x6b: {  	_ =	shalt  }
0x6c: {  	_ =	shalt  }
0x6d: {  	_ =	shalt  }
0x6e: {  	_ =	shalt  }
0x6f: {  	_ =	shalt  }
0x70: {  	_ =	shalt  }
0x71: {  	_ =	shalt  }
0x72: {  	_ =	shalt  }
0x73: {  	_ =	shalt  }
0x74: {  	_ =	shalt  }
0x75: {  	_ =	shalt  }
0x76: {  	_ =	shalt  }
0x77: {  	_ =	shalt  }
0x78: {  	_ =	shalt  }
0x79: {  	_ =	shalt  }
0x7a: {  	_ =	shalt  }
0x7b: {  	_ =	shalt  }
0x7c: {  	_ =	shalt  }
0x7d: {  	_ =	shalt  }
0x7e: {  	_ =	shalt  }
0x7f: {  	_ =	shalt  }
0x80: {  	_ =	shalt  }
0x81: {  	_ =	shalt  }
0x82: {  	_ =	shalt  }
0x83: {  	_ =	shalt  }
0x84: {  	_ =	shalt  }
0x85: {  	_ =	shalt  }
0x86: {  	_ =	shalt  }
0x87: {  	_ =	shalt  }
.Lfunc_end0:
.L_simem_size_0:
called_computation.1_lowered:
.L_overlay_start_0:
0x88: {  	s2 =	sld [smem:$0x3FD9]  }
0x89: {  	s3 =	sld [smem:$0x3FFE];
	_ =	sdelay $0x1  }
0x8a: {  	s1 =	srdreg.scid  }
0x8b: {  	s0 =	sand.u32 $0x1, s1  }
0x8c: {  	s17 =	sshll.u32 s0, $0xA;
	s2 =	sadd.s32 s3, s2  }
0x8d: {  	s2 =	sadd.s32 s2, s17  }
0x8e: {  	[smem:$0x3FC6] =	sst s2  }
0x8f: {  	_ = 	snop  }
0x90: {  	s2 =	sld [smem:$0x3FD0];
	(tm) =	ssettm $0x1  }
0x91: {  	s18 =	sld [smem:$0x3FFB];
	_ =	sdelay $0x3  }
0x92: {  	_ =	strace s18  }
0x93: {  	s3 =	sld [smem:$0x3FFC];
	_ =	sdelay $0x3  }
0x94: {  	_ =	strace s3  }
0x95: {  	s3 =	sld [smem:$0x3FFD];
	_ =	sdelay $0x3  }
0x96: {  	_ =	strace s3  }
0x97: {  	_ =	strace $0x8FFFFFFF  }
0x98: {  	s19 =	sld [smem:$0x3FDB];
	_ =	sdelay $0x1  }
0x99: {  	s4 =	simm.s32 $_scs_section_size  }
0x9a: {  	s5 =	simm.s32 $_size__tile_overlayer_lowered;
	s6 =	simm.s32 $_tile_overlayer_lowered  }
0x9b: {  	s22 =	simm.s32 $0x1BFF;
	s21 =	sshll.u32 s6, $0x1;
	s3 =	sadd.s32 s4, s19  }
0x9c: {  	s7 =	simm.s32 $0x0;
	s20 =	sshll.u32 s5, $0x1;
	s5 =	sadd.s32 s21, s3  }
0x9d: {  	[timem:s7], [sflag:s22] =	dma.local [hbm:s5], s20  }
0x9e: {  	_ =	swait.ge [sflag:s22], s20  }
0x9f: {  	s4 =	ssub.s32 $0x0, s20;
	[sflag:s22] =	ssyncset.done $0x0  }
0xa0: {  	[sflag:s22] =	ssyncadd.s32 s4;
	_ =	sdelay $0x1  }
0xa1: {  	s23 =	simm.s32 $0x1B8B  }
0xa2: {  	_ =	swait.ge [sflag:s23], $0x1  }
0xa3: {  	[sflag:s23] =	ssyncset.done $0x0  }
0xa4: {  	s25 =	simm.s32 $0x1B8E;
	s24 =	sld [smem:$0x3FFE];
	[sflag:s23] =	ssyncadd.s32 $0xFFFFFFFF  }
0xa5: {  	s26 =	simm.s32 $execute0_lowered;
	[smem:$0x3FD2] =	sst s25  }
0xa6: {  	s5 =	sshll.u32 s26, $0x1;
	_ =	strace $0x80000046;
	[dreg:$0x1] =	wrdreg $0xFFFFFFFF  }
0xa7: {  	s28 =	simm.s32 $_size_execute0_lowered;
	s3 =	sadd.s32 s3, s5;
	[dreg:$0x0] =	wrdreg $0x0  }
0xa8: {  	s5 =	sshll.u32 s28, $0x1;
	[dreg:$0x2] =	wrdreg s3  }
0xa9: {  	[dreg:$0x3] =	wrdreg s5  }
0xaa: {  	[dreg:$0x4] =	wrdreg $0xC0  }
0xab: {  	_ =	task [dreg:s7], $0x5FFFF  }
0xac: {  	[dreg:$0x1] =	wrdreg $0xFFFFFFFF  }
0xad: {  	[dreg:$0x0] =	wrdreg $0x60  }
0xae: {  	[dreg:$0x2] =	wrdreg s24  }
0xaf: {  	[dreg:$0x3] =	wrdreg s2  }
0xb0: {  	[dreg:$0x4] =	wrdreg $0x9  }
0xb1: {  	_ =	task.clear_ibuf [dreg:s7], $0x5FFFF;
	_ =	strace $0x90000046  }
0xb2: {  	s29 =	simm.s32 $0x9;
	_ =	strace $0x80000048  }
0xb3: {  	_ =	swait.ge [sflag:s29], $0x1  }
0xb4: {  	[sflag:s29] =	ssyncadd.s32 $0xFFFFFFFF  }
0xb5: {  	_ =	strace $0x90000048  }
0xb6: {  	_ =	sfence  }
0xb7: {  	s30 =	sld [smem:$0x0];
	_ =	sdelay $0x2  }
0xb8: {  	s31 =	sshll.u32 s1, $0xD;
	s1 =	sshrl.u32 s1, $0x2  }
0xb9: {  	s3 =	sand.u32 $0x4000, s31;
	s1 =	sadd.s32 s1, s30  }
0xba: {  	s0 =	sor.u32 s3, s0;
	s1 =	sshll.u32 s1, $0x11  }
0xbb: {  	s0 =	sor.u32 s1, s0  }
0xbc: {  	s0 =	sadd.s32 $0x8F2B, s0  }
0xbd: {  	[sflag:s0] =	ssyncadd.remote.s32 $0x1  }
0xbe: {  	_ =	sfence.sel $0xFFFF  }
0xbf: {  	[dreg:$0x0] =	wrdreg $0xFFFFFFFF;
	(pc) =	sbr.abs _section_cstart, $3  }
0xc0: {  	[dreg:$0x1] =	wrdreg $0xFFFFFFFF  }
0xc1: {  	_ =	task.clear_ibuf [dreg:s7], $0x2FFFF;
	_ =	strace $0x9FFFFFFF  }
0xc2: {  	(tm) =	ssettm $0x7FFFFFFF  }
0xc3: {  	_ =	shalt  }
tec
execute0_lowered:
.L_overlay_start_1:
0x0: {  	(tag) =	ssettag $0x1  }
0x1: {  	s0 =	srdreg.scid  }
0x2: {  	s2 =	stileid.u32;
	s1 =	rddreg [dreg:$0x0]  }
0x3: {  	s22 =	simm.s32 $0x100;
	s23 =	simm.s32 $0xC500;
	s24 =	simm.s32 $0x6  }
0x4: {  	s10 =	simm.s32 $0x7;
	s11 =	simm.s32 $0x8;
	s21 =	simm.s32 $0x9  }
0x5: {  	s25 =	simm.s32 $0x0;
	s0 =	sand.u32 $0x1, s0;
	s3 =	sshll.u32 s2, $0x1  }
0x6: {  	s2 =	rddreg [dreg:$0x1];
	s5 =	sadd.s32 $0xA00, s1;
	s6 =	sor.u32 s0, s3  }
0x7: {  	s3 =	simm.s32 $0x0;
	s0 =	ssub.s32 $0x2, s0;
	s4 =	smul.u32 $0x6400, s6  }
0x8: {  	[smem:$0x7FF] =	sst s3;
	s8 =	sshrl.u32 s0, $0x1;
	s30 =	smul.u32 $0x190000, s6  }
0x9: {  	s6 =	simm.s32 $0xA;
	_ =	strace $0x80000047;
	s0 =	ssub.s32 s0, s8  }
0xa: {  	s8 =	simm.s32 $0x5;
	s7 =	sshrl.u32 s4, $0x3;
	s12 =	sadd.s32 $0x500, s4  }
0xb: {  	s13 =	sadd.s32 $0x600, s4;
	s14 =	sor.u32 $0x100, s4;
	s15 =	sadd.s32 $0x700, s4  }
0xc: {  	s16 =	sor.u32 $0x8000, s30;
	s17 =	sadd.s32 $0x800, s4;
	s0 =	smax.u32 s0, $0x1  }
0xd: {  	s18 =	sor.u32 $0xC000, s30;
	s9 =	sadd.s32 s5, s7;
	[dreg:$0x8] =	wrdreg s0  }
0xe: {  	s19 =	sadd.s32 $0x900, s4;
	s26 =	sadd.s32 $0x20, s9;
	[dreg:$0x3] =	wrdreg s9  }
0xf: {  	s20 =	sadd.s32 $0x10000, s30;
	s28 =	sadd.s32 $0x40, s9;
	[dreg:$0x4] =	wrdreg s26  }
0x10: {  	s7 =	sadd.s32 $0xF42E00, s1;
	s29 =	sadd.s32 $0x60, s9;
	[dreg:$0x5] =	wrdreg s28  }
0x11: {  	s1 =	simm.s32 $0x8500;
	s31 =	sadd.s32 $0x80, s9;
	[dreg:$0x6] =	wrdreg s29  }
0x12: {  	s9 =	simm.s32 $0x10500;
	[dreg:$0x7] =	wrdreg s31;
	s26 =	simm.s32 $0xF  }
.LBB2_1:
0x13: {  	[dreg:$0x9] =	wrdreg s25  }
0x14: {  	s0 =	rddreg [dreg:$0x3]  }
0x15: {  	[tilespmem:s3], [sflag:$0x1] =	stream.linear.gather [hbm4b:s0+s3], $0x100, $0x38;
	[tilespmem:$0x14500] =	vst v63  }
0x16: {  	s25 =	rddreg [dreg:$0x4]  }
0x17: {  	[tilespmem:s22], [sflag:$0x2] =	stream.linear.gather [hbm4b:s25+s3], $0x100, $0x38;
	[tilespmem:$0x14500] =	vst v63  }
0x18: {  	s28 =	rddreg [dreg:$0x5];
	s25 =	simm.s32 $0x200  }
0x19: {  	[tilespmem:s25], [sflag:$0x3] =	stream.linear.gather [hbm4b:s28+s3], $0x100, $0x38;
	[tilespmem:$0x14500] =	vst v63  }
0x1a: {  	s29 =	rddreg [dreg:$0x6];
	s28 =	simm.s32 $0x300  }
0x1b: {  	[tilespmem:s28], [sflag:$0x4] =	stream.linear.gather [hbm4b:s29+s3], $0x100, $0x38;
	[tilespmem:$0x14500] =	vst v63  }
0x1c: {  	s30 =	rddreg [dreg:$0x7];
	s29 =	simm.s32 $0x400  }
0x1d: {  	[tilespmem:s29], [sflag:$0x5] =	stream.linear.gather [hbm4b:s30+s3], $0x100, $0x38;
	[tilespmem:$0x14500] =	vst v63  }
0x1e: {  	s29 =	simm.s32 $0x1  }
0x1f: {  	_ =	swait.ge [sflag:s29], $0x100  }
0x20: {  	[sflag:s29] =	ssyncset.done $0x0  }
0x21: {  	s30 =	simm.s32 $0x500;
	[sflag:s29] =	ssyncadd.s32 $0xFFFFFF00;
	s29 =	simm.s32 $0x2  }
0x22: {  	[tilespmem:s30], [sflag:$0x6] =	stream.indirect.gather [hbm4b:s7+s22], $0x40, s3, s22, $0xb8;
	[tilespmem:$0x14500] =	vst v63  }
0x23: {  	_ =	swait.ge [sflag:s29], $0x100  }
0x24: {  	[sflag:s29] =	ssyncset.done $0x0  }
0x25: {  	s30 =	simm.s32 $0x4500;
	[sflag:s29] =	ssyncadd.s32 $0xFFFFFF00;
	s29 =	simm.s32 $0x3  }
0x26: {  	[tilespmem:s30], [sflag:$0x7] =	stream.indirect.gather [hbm4b:s7+s22], $0x40, s22, s22, $0xb8;
	[tilespmem:$0x14500] =	vst v63  }
0x27: {  	_ =	swait.ge [sflag:s29], $0x100  }
0x28: {  	[sflag:s29] =	ssyncset.done $0x0  }
0x29: {  	s30 =	simm.s32 $0x4;
	[sflag:s29] =	ssyncadd.s32 $0xFFFFFF00  }
0x2a: {  	[tilespmem:s1], [sflag:$0x8] =	stream.indirect.gather [hbm4b:s7+s22], $0x40, s25, s22, $0xb8;
	[tilespmem:$0x14500] =	vst v63  }
0x2b: {  	_ =	swait.ge [sflag:s30], $0x100  }
0x2c: {  	[sflag:s30] =	ssyncset.done $0x0  }
0x2d: {  	s31 =	simm.s32 $0x0;
	[sflag:s30] =	ssyncadd.s32 $0xFFFFFF00  }
0x2e: {  	[tilespmem:s23], [sflag:$0x9] =	stream.indirect.gather [hbm4b:s7+s22], $0x40, s28, s22, $0xb8;
	[tilespmem:$0x14500] =	vst v63  }
.LBB2_2:
0x2f: {  	_ =	swait.ge [sflag:s24], $0x4000;
	p0 =	sne.s32 s31, $0x0  }
.Ltmp0:
0x30: {  	[sflag:s24] =	ssyncset.done $0x0;
	(pc) =	sbr.rel @!p0 .LBB2_3-.Ltmp0, $4  }
0x31: {  	[sflag:s24] =	ssyncadd.s32 $0xFFFFC000  }
0x32: {  	_ =	swait.ge [sflag:s8], $0x100  }
0x33: {  	[sflag:s8] =	ssyncset.done $0x0  }
0x34: {  	[sflag:s8] =	ssyncadd.s32 $0xFFFFFF00  }
0x35: {  	p1 =	seq.s32 s31, $0x13  }
.Ltmp1:
0x36: {  	_ = 	snop;
	(pc) =	sbr.rel @p1 .LBB2_6-.Ltmp1, $4  }
.Ltmp2:
0x37: {  	_ =	swait.ge [sflag:s26], $0x4000;
	(pc) =	sbr.rel @!p1 .LBB2_5-.Ltmp2, $4  }
0x38: {  	[sflag:s26] =	ssyncset.done $0x0  }
0x39: {  	s0 =	simm.s32 $0x400;
	p0 =	por $0x1, $0x1;
	[sflag:s26] =	ssyncadd.s32 $0xFFFFC000  }
0x3a: {  	[tilespmem:s9], [sflag:$0xA] =	stream.indirect.gather [hbm4b:s7+s22], $0x40, s0, s22, $0xb8;
	[tilespmem:$0x14500] =	vst v63  }
0x3b: {  	_ = 	snop  }
.LBB2_3:
0x3c: {  	s0 =	simm.s32 $0x400  }
0x3d: {  	[tilespmem:s9], [sflag:$0xA] =	stream.indirect.gather [hbm4b:s7+s22], $0x40, s0, s22, $0xb8;
	[tilespmem:$0x14500] =	vst v63  }
.LBB2_5:
0x3e: {  	s0 =	smul.u32 $0x500, s31;
	_ =	sdelay $0x1  }
0x3f: {  	s0 =	sadd.s32 s0, s12  }
0x40: {  	s0 =	sshrl.u32 s0, $0x3  }
0x41: {  	p0 =	por $0x0, $0x0;
	s0 =	sadd.s32 s5, s0  }
0x42: {  	[tilespmem:s3], [sflag:$0x1] =	stream.linear.gather [hbm4b:s0+s3], $0x100, $0x38;
	[tilespmem:$0x14500] =	vst v63  }
.LBB2_6:
0x43: {  	s29 =	simm.s32 $0x600  }
0x44: {  	v0 =	vld [tilespmem:s29+$0xF0]  }
0x45: {  	v1 =	vld [tilespmem:s29+$0xFFFFFF10]  }
0x46: {  	v2 =	vld [tilespmem:s29+$0xFFFFFF20]  }
0x47: {  	v3 =	vld [tilespmem:s29+$0xFFFFFF30]  }
0x48: {  	v4 =	vld [tilespmem:s29+$0xFFFFFF40]  }
0x49: {  	v5 =	vld [tilespmem:s29+$0xFFFFFF50];
	v0 =	vmul.f32 $8.000000000e+00, v0  }
0x4a: {  	v6 =	vld [tilespmem:s29+$0xFFFFFF60];
	v1 =	vmul.f32 $8.000000000e+00, v1  }
0x4b: {  	v7 =	vld [tilespmem:s29+$0xFFFFFF70];
	v2 =	vmul.f32 $8.000000000e+00, v2;
	[tilespmem:s29+$0xF0] =	vst v0  }
0x4c: {  	[tilespmem:s29+$0xFFFFFF10] =	vst v1;
	v0 =	vmul.f32 $8.000000000e+00, v3;
	v1 =	vld [tilespmem:s29+$0xFFFFFF80]  }
0x4d: {  	[tilespmem:s29+$0xFFFFFF20] =	vst v2;
	v2 =	vmul.f32 $8.000000000e+00, v4;
	v3 =	vld [tilespmem:s29+$0xFFFFFF90]  }
0x4e: {  	v4 =	vld [tilespmem:s29+$0xFFFFFFA0];
	[tilespmem:s29+$0xFFFFFF30] =	vst v0;
	v0 =	vmul.f32 $8.000000000e+00, v5  }
0x4f: {  	[tilespmem:s29+$0xFFFFFF40] =	vst v2;
	v2 =	vmul.f32 $8.000000000e+00, v6;
	v5 =	vld [tilespmem:s29+$0xFFFFFFB0]  }
0x50: {  	v6 =	vld [tilespmem:s29+$0xFFFFFFC0];
	[tilespmem:s29+$0xFFFFFF50] =	vst v0;
	v0 =	vmul.f32 $8.000000000e+00, v7  }
0x51: {  	[tilespmem:s29+$0xFFFFFF60] =	vst v2;
	v2 =	vld [tilespmem:s29+$0xFFFFFFD0];
	v1 =	vmul.f32 $8.000000000e+00, v1  }
0x52: {  	[tilespmem:s29+$0xFFFFFF70] =	vst v0;
	v0 =	vmul.f32 $8.000000000e+00, v3;
	v3 =	vld [tilespmem:s29+$0xFFFFFFE0]  }
0x53: {  	[tilespmem:s29+$0xFFFFFF80] =	vst v1;
	v1 =	vmul.f32 $8.000000000e+00, v4;
	v4 =	vld [tilespmem:s29+$0xFFFFFFF0]  }
0x54: {  	[tilespmem:s29+$0xFFFFFF90] =	vst v0;
	v0 =	vmul.f32 $8.000000000e+00, v5;
	v5 =	vld [tilespmem:s29+$0x0]  }
0x55: {  	[tilespmem:s29+$0xFFFFFFA0] =	vst v1;
	v1 =	vmul.f32 $8.000000000e+00, v6;
	v6 =	vld [tilespmem:s29+$0x10]  }
0x56: {  	[tilespmem:s29+$0xFFFFFFB0] =	vst v0;
	v0 =	vmul.f32 $8.000000000e+00, v2;
	v2 =	vld [tilespmem:s29+$0x20]  }
0x57: {  	[tilespmem:s29+$0xFFFFFFC0] =	vst v1;
	v1 =	vmul.f32 $8.000000000e+00, v3;
	v3 =	vld [tilespmem:s29+$0x30]  }
0x58: {  	[tilespmem:s29+$0xFFFFFFD0] =	vst v0;
	v0 =	vmul.f32 $8.000000000e+00, v4;
	v4 =	vld [tilespmem:s29+$0x40]  }
0x59: {  	[tilespmem:s29+$0xFFFFFFE0] =	vst v1;
	v1 =	vmul.f32 $8.000000000e+00, v5;
	v5 =	vld [tilespmem:s29+$0x50]  }
0x5a: {  	[tilespmem:s29+$0xFFFFFFF0] =	vst v0;
	v0 =	vmul.f32 $8.000000000e+00, v6;
	v6 =	vld [tilespmem:s29+$0x60]  }
0x5b: {  	[tilespmem:s29+$0x0] =	vst v1;
	v1 =	vmul.f32 $8.000000000e+00, v2;
	v2 =	vld [tilespmem:s29+$0x70]  }
0x5c: {  	[tilespmem:s29+$0x10] =	vst v0;
	v0 =	vmul.f32 $8.000000000e+00, v3;
	v3 =	vld [tilespmem:s29+$0x80]  }
0x5d: {  	[tilespmem:s29+$0x20] =	vst v1;
	v1 =	vmul.f32 $8.000000000e+00, v4;
	v4 =	vld [tilespmem:s29+$0x90]  }
0x5e: {  	v7 =	vld [tilespmem:s29+$0xA0];
	[tilespmem:s29+$0x30] =	vst v0;
	v5 =	vmul.f32 $8.000000000e+00, v5  }
0x5f: {  	v0 =	vld [tilespmem:s29+$0xB0];
	[tilespmem:s29+$0x40] =	vst v1;
	v6 =	vmul.f32 $8.000000000e+00, v6  }
0x60: {  	v1 =	vld [tilespmem:s29+$0xC0];
	[tilespmem:s29+$0x50] =	vst v5;
	v2 =	vmul.f32 $8.000000000e+00, v2  }
0x61: {  	[tilespmem:s29+$0x60] =	vst v6;
	v6 =	vmul.f32 $8.000000000e+00, v3;
	v3 =	vld [tilespmem:s29+$0xD0]  }
0x62: {  	[tilespmem:s29+$0x70] =	vst v2;
	v2 =	vld [tilespmem:s29+$0xE0];
	v5 =	vmul.f32 $8.000000000e+00, v4  }
0x63: {  	s0 =	simm.s32 $0x0;
	s25 =	simm.s32 $0x800;
	v4 =	vld [tilespmem:s29+$0xFFFFFF00];
	[tilespmem:s29+$0x80] =	vst v6;
	v6 =	vmul.f32 $8.000000000e+00, v7  }
.LBB2_7:
0x64: {  	v7 =	vld [tilespmem:s25+$0xF0];
	s0 =	sadd.s32 $0x8, s0;
	[tilespmem:s29+$0x90] =	vst v5;
	v0 =	vmul.f32 $8.000000000e+00, v0  }
0x65: {  	v5 =	vld [tilespmem:s25+$0xFFFFFF10];
	p1 =	slt.u32 s0, $0xF8;
	[tilespmem:s29+$0xA0] =	vst v6;
	v1 =	vmul.f32 $8.000000000e+00, v1  }
0x66: {  	v6 =	vld [tilespmem:s25+$0xFFFFFF20];
	[tilespmem:s29+$0xB0] =	vst v0;
	v0 =	vmul.f32 $8.000000000e+00, v3  }
0x67: {  	v3 =	vld [tilespmem:s25+$0xFFFFFF30];
	[tilespmem:s29+$0xC0] =	vst v1;
	v1 =	vmul.f32 $8.000000000e+00, v2  }
0x68: {  	v2 =	vld [tilespmem:s25+$0xFFFFFF40];
	v4 =	vmul.f32 $8.000000000e+00, v4;
	[tilespmem:s29+$0xD0] =	vst v0  }
0x69: {  	v0 =	vld [tilespmem:s25+$0xFFFFFF50];
	v7 =	vmul.f32 $8.000000000e+00, v7;
	[tilespmem:s29+$0xE0] =	vst v1  }
0x6a: {  	v1 =	vmul.f32 $8.000000000e+00, v5;
	v5 =	vld [tilespmem:s25+$0xFFFFFF60];
	[tilespmem:s29+$0xFFFFFF00] =	vst v4;
	s29 =	smov.u32 s25  }
0x6b: {  	v4 =	vmul.f32 $8.000000000e+00, v6;
	v6 =	vld [tilespmem:s25+$0xFFFFFF70];
	[tilespmem:s25+$0xF0] =	vst v7  }
0x6c: {  	[tilespmem:s25+$0xFFFFFF10] =	vst v1;
	v1 =	vmul.f32 $8.000000000e+00, v3;
	v3 =	vld [tilespmem:s25+$0xFFFFFF80]  }
0x6d: {  	[tilespmem:s25+$0xFFFFFF20] =	vst v4;
	v2 =	vmul.f32 $8.000000000e+00, v2;
	v4 =	vld [tilespmem:s25+$0xFFFFFF90]  }
0x6e: {  	[tilespmem:s25+$0xFFFFFF30] =	vst v1;
	v0 =	vmul.f32 $8.000000000e+00, v0;
	v1 =	vld [tilespmem:s25+$0xFFFFFFA0]  }
0x6f: {  	[tilespmem:s25+$0xFFFFFF40] =	vst v2;
	v2 =	vmul.f32 $8.000000000e+00, v5;
	v5 =	vld [tilespmem:s25+$0xFFFFFFB0]  }
0x70: {  	[tilespmem:s25+$0xFFFFFF50] =	vst v0;
	v0 =	vmul.f32 $8.000000000e+00, v6;
	v6 =	vld [tilespmem:s25+$0xFFFFFFC0]  }
0x71: {  	[tilespmem:s25+$0xFFFFFF60] =	vst v2;
	v2 =	vmul.f32 $8.000000000e+00, v3;
	v3 =	vld [tilespmem:s25+$0xFFFFFFD0]  }
0x72: {  	[tilespmem:s25+$0xFFFFFF70] =	vst v0;
	v0 =	vmul.f32 $8.000000000e+00, v4;
	v4 =	vld [tilespmem:s25+$0xFFFFFFE0]  }
0x73: {  	[tilespmem:s25+$0xFFFFFF80] =	vst v2;
	v1 =	vmul.f32 $8.000000000e+00, v1;
	v2 =	vld [tilespmem:s25+$0xFFFFFFF0]  }
0x74: {  	[tilespmem:s25+$0xFFFFFF90] =	vst v0;
	v0 =	vmul.f32 $8.000000000e+00, v5;
	v5 =	vld [tilespmem:s25+$0x0]  }
0x75: {  	[tilespmem:s25+$0xFFFFFFA0] =	vst v1;
	v1 =	vmul.f32 $8.000000000e+00, v6;
	v6 =	vld [tilespmem:s25+$0x10]  }
0x76: {  	[tilespmem:s25+$0xFFFFFFB0] =	vst v0;
	v0 =	vmul.f32 $8.000000000e+00, v3;
	v3 =	vld [tilespmem:s25+$0x20]  }
0x77: {  	[tilespmem:s25+$0xFFFFFFC0] =	vst v1;
	v1 =	vmul.f32 $8.000000000e+00, v4;
	v4 =	vld [tilespmem:s25+$0x30]  }
0x78: {  	[tilespmem:s25+$0xFFFFFFD0] =	vst v0;
	v0 =	vmul.f32 $8.000000000e+00, v2;
	v2 =	vld [tilespmem:s25+$0x40]  }
0x79: {  	[tilespmem:s25+$0xFFFFFFE0] =	vst v1;
	v1 =	vmul.f32 $8.000000000e+00, v5;
	v5 =	vld [tilespmem:s25+$0x50]  }
0x7a: {  	[tilespmem:s25+$0xFFFFFFF0] =	vst v0;
	v0 =	vmul.f32 $8.000000000e+00, v6;
	v6 =	vld [tilespmem:s25+$0x60]  }
0x7b: {  	[tilespmem:s25+$0x0] =	vst v1;
	v1 =	vmul.f32 $8.000000000e+00, v3;
	v3 =	vld [tilespmem:s25+$0x70]  }
0x7c: {  	[tilespmem:s25+$0x10] =	vst v0;
	v0 =	vmul.f32 $8.000000000e+00, v4;
	v4 =	vld [tilespmem:s25+$0x80]  }
0x7d: {  	[tilespmem:s25+$0x20] =	vst v1;
	v1 =	vmul.f32 $8.000000000e+00, v2;
	v2 =	vld [tilespmem:s25+$0x90]  }
0x7e: {  	[tilespmem:s25+$0x30] =	vst v0;
	v5 =	vmul.f32 $8.000000000e+00, v5;
	v7 =	vld [tilespmem:s25+$0xA0]  }
.Ltmp3:
0x7f: {  	[tilespmem:s25+$0x40] =	vst v1;
	v6 =	vmul.f32 $8.000000000e+00, v6;
	v0 =	vld [tilespmem:s25+$0xB0];
	(pc) =	sbr.rel @p1 .LBB2_7-.Ltmp3, $4  }
0x80: {  	[tilespmem:s25+$0x50] =	vst v5;
	v5 =	vmul.f32 $8.000000000e+00, v3;
	v1 =	vld [tilespmem:s25+$0xC0]  }
0x81: {  	[tilespmem:s25+$0x60] =	vst v6;
	v6 =	vmul.f32 $8.000000000e+00, v4;
	v3 =	vld [tilespmem:s25+$0xD0]  }
0x82: {  	[tilespmem:s25+$0x70] =	vst v5;
	v5 =	vmul.f32 $8.000000000e+00, v2;
	v2 =	vld [tilespmem:s25+$0xE0]  }
0x83: {  	s25 =	sadd.s32 $0x200, s25;
	v4 =	vld [tilespmem:s29+$0xFFFFFF00];
	[tilespmem:s29+$0x80] =	vst v6;
	v6 =	vmul.f32 $8.000000000e+00, v7  }
0x84: {  	[tilespmem:s29+$0x90] =	vst v5;
	v0 =	vmul.f32 $8.000000000e+00, v0  }
0x85: {  	[tilespmem:s29+$0xA0] =	vst v6;
	v1 =	vmul.f32 $8.000000000e+00, v1  }
0x86: {  	s0 =	smul.u32 $0x500, s31;
	[tilespmem:s29+$0xB0] =	vst v0;
	v0 =	vmul.f32 $8.000000000e+00, v3  }
0x87: {  	[tilespmem:s29+$0xC0] =	vst v1;
	v1 =	vmul.f32 $8.000000000e+00, v2  }
0x88: {  	s25 =	sadd.s32 s4, s0;
	v2 =	vmul.f32 $8.000000000e+00, v4;
	[tilespmem:s29+$0xD0] =	vst v0  }
0x89: {  	s25 =	sshll.u32 s25, $0x3;
	[tilespmem:s29+$0xE0] =	vst v1  }
0x8a: {  	s28 =	simm.s32 $0x500;
	s25 =	sadd.s32 s2, s25;
	[tilespmem:s29+$0xFFFFFF00] =	vst v2  }
0x8b: {  	[hbm4b:s25+s3] =	stream.linear.scatter [tilespmem:s28], [sflag:$0xB], $0x4000, $0x38;
	[tilespmem:$0x14500] =	vst v63  }
0x8c: {  	_ =	swait.ge [sflag:s10], $0x4000  }
0x8d: {  	[sflag:s10] =	ssyncset.done $0x0  }
0x8e: {  	s25 =	simm.s32 @!p0 $0x1;
	[sflag:s10] =	ssyncadd.s32 $0xFFFFC000  }
0x8f: {  	_ =	swait.ge @!p0 [sflag:s25], $0x100  }
0x90: {  	[sflag:s25] =	ssyncset.done @!p0 $0x0  }
0x91: {  	[sflag:s25] =	ssyncadd.s32 @!p0 $0xFFFFFF00;
	s25 =	simm.s32 @!p0 $0xB  }
0x92: {  	_ =	swait.ge @!p0 [sflag:s25], $0x4000  }
0x93: {  	s29 =	simm.s32 @!p0 $0x500;
	[sflag:s25] =	ssyncset.done @!p0 $0x0  }
0x94: {  	s28 =	simm.s32 @!p0 $0x0;
	[sflag:s25] =	ssyncadd.s32 @!p0 $0xFFFFC000;
	s25 =	simm.s32 @!p0 $0x100  }
0x95: {  	[tilespmem:s29], [sflag:$0x6] =	stream.indirect.gather @!p0 [hbm4b:s7+s25], $0x40, s28, s25, $0xb8;
	[tilespmem:$0x14500] =	vst v63  }
0x96: {  	s29 =	sadd.s32 @!p0 s0, s13  }
0x97: {  	s29 =	sshrl.u32 @!p0 s29, $0x3  }
0x98: {  	s29 =	sadd.s32 @!p0 s5, s29  }
0x99: {  	[tilespmem:s25], [sflag:$0x2] =	stream.linear.gather @!p0 [hbm4b:s29+s28], $0x100, $0x38;
	[tilespmem:$0x14500] =	vst v63  }
0x9a: {  	s29 =	simm.s32 $0x4500  }
0x9b: {  	v0 =	vld [tilespmem:s29+$0x1F0]  }
0x9c: {  	v1 =	vld [tilespmem:s29+$0x10]  }
0x9d: {  	v2 =	vld [tilespmem:s29+$0x20]  }
0x9e: {  	v3 =	vld [tilespmem:s29+$0x30]  }
0x9f: {  	v4 =	vld [tilespmem:s29+$0x40]  }
0xa0: {  	v5 =	vld [tilespmem:s29+$0x50];
	v0 =	vmul.f32 $8.000000000e+00, v0  }
0xa1: {  	v6 =	vld [tilespmem:s29+$0x60];
	v1 =	vmul.f32 $8.000000000e+00, v1  }
0xa2: {  	v7 =	vld [tilespmem:s29+$0x70];
	v2 =	vmul.f32 $8.000000000e+00, v2;
	[tilespmem:s29+$0x1F0] =	vst v0  }
0xa3: {  	[tilespmem:s29+$0x10] =	vst v1;
	v0 =	vmul.f32 $8.000000000e+00, v3;
	v1 =	vld [tilespmem:s29+$0x80]  }
0xa4: {  	[tilespmem:s29+$0x20] =	vst v2;
	v2 =	vmul.f32 $8.000000000e+00, v4;
	v3 =	vld [tilespmem:s29+$0x90]  }
0xa5: {  	v4 =	vld [tilespmem:s29+$0xA0];
	[tilespmem:s29+$0x30] =	vst v0;
	v0 =	vmul.f32 $8.000000000e+00, v5  }
0xa6: {  	[tilespmem:s29+$0x40] =	vst v2;
	v2 =	vmul.f32 $8.000000000e+00, v6;
	v5 =	vld [tilespmem:s29+$0xB0]  }
0xa7: {  	v6 =	vld [tilespmem:s29+$0xC0];
	[tilespmem:s29+$0x50] =	vst v0;
	v0 =	vmul.f32 $8.000000000e+00, v7  }
0xa8: {  	[tilespmem:s29+$0x60] =	vst v2;
	v2 =	vld [tilespmem:s29+$0xD0];
	v1 =	vmul.f32 $8.000000000e+00, v1  }
0xa9: {  	[tilespmem:s29+$0x70] =	vst v0;
	v0 =	vmul.f32 $8.000000000e+00, v3;
	v3 =	vld [tilespmem:s29+$0xE0]  }
0xaa: {  	[tilespmem:s29+$0x80] =	vst v1;
	v1 =	vmul.f32 $8.000000000e+00, v4;
	v4 =	vld [tilespmem:s29+$0xF0]  }
0xab: {  	[tilespmem:s29+$0x90] =	vst v0;
	v0 =	vmul.f32 $8.000000000e+00, v5;
	v5 =	vld [tilespmem:s29+$0x100]  }
0xac: {  	[tilespmem:s29+$0xA0] =	vst v1;
	v1 =	vmul.f32 $8.000000000e+00, v6;
	v6 =	vld [tilespmem:s29+$0x110]  }
0xad: {  	[tilespmem:s29+$0xB0] =	vst v0;
	v0 =	vmul.f32 $8.000000000e+00, v2;
	v2 =	vld [tilespmem:s29+$0x120]  }
0xae: {  	[tilespmem:s29+$0xC0] =	vst v1;
	v1 =	vmul.f32 $8.000000000e+00, v3;
	v3 =	vld [tilespmem:s29+$0x130]  }
0xaf: {  	[tilespmem:s29+$0xD0] =	vst v0;
	v0 =	vmul.f32 $8.000000000e+00, v4;
	v4 =	vld [tilespmem:s29+$0x140]  }
0xb0: {  	[tilespmem:s29+$0xE0] =	vst v1;
	v1 =	vmul.f32 $8.000000000e+00, v5;
	v5 =	vld [tilespmem:s29+$0x150]  }
0xb1: {  	[tilespmem:s29+$0xF0] =	vst v0;
	v0 =	vmul.f32 $8.000000000e+00, v6;
	v6 =	vld [tilespmem:s29+$0x160]  }
0xb2: {  	[tilespmem:s29+$0x100] =	vst v1;
	v1 =	vmul.f32 $8.000000000e+00, v2;
	v2 =	vld [tilespmem:s29+$0x170]  }
0xb3: {  	[tilespmem:s29+$0x110] =	vst v0;
	v0 =	vmul.f32 $8.000000000e+00, v3;
	v3 =	vld [tilespmem:s29+$0x180]  }
0xb4: {  	[tilespmem:s29+$0x120] =	vst v1;
	v1 =	vmul.f32 $8.000000000e+00, v4;
	v4 =	vld [tilespmem:s29+$0x190]  }
0xb5: {  	v7 =	vld [tilespmem:s29+$0x1A0];
	[tilespmem:s29+$0x130] =	vst v0;
	v5 =	vmul.f32 $8.000000000e+00, v5  }
0xb6: {  	v0 =	vld [tilespmem:s29+$0x1B0];
	[tilespmem:s29+$0x140] =	vst v1;
	v6 =	vmul.f32 $8.000000000e+00, v6  }
0xb7: {  	v1 =	vld [tilespmem:s29+$0x1C0];
	[tilespmem:s29+$0x150] =	vst v5;
	v5 =	vmul.f32 $8.000000000e+00, v2  }
0xb8: {  	v2 =	vld [tilespmem:s29+$0x1D0];
	[tilespmem:s29+$0x160] =	vst v6;
	v6 =	vmul.f32 $8.000000000e+00, v3  }
0xb9: {  	v3 =	vld [tilespmem:s29+$0x1E0];
	[tilespmem:s29+$0x170] =	vst v5;
	v5 =	vmul.f32 $8.000000000e+00, v4  }
0xba: {  	s25 =	simm.s32 $0x0;
	s28 =	simm.s32 $0x4700;
	v4 =	vld [tilespmem:s29+$0x0];
	[tilespmem:s29+$0x180] =	vst v6;
	v6 =	vmul.f32 $8.000000000e+00, v7  }
.LBB2_9:
0xbb: {  	v7 =	vld [tilespmem:s28+$0x1F0];
	s25 =	sadd.s32 $0x8, s25;
	[tilespmem:s29+$0x190] =	vst v5;
	v0 =	vmul.f32 $8.000000000e+00, v0  }
0xbc: {  	v5 =	vld [tilespmem:s28+$0x10];
	p1 =	slt.u32 s25, $0xF8;
	[tilespmem:s29+$0x1A0] =	vst v6;
	v1 =	vmul.f32 $8.000000000e+00, v1  }
0xbd: {  	v6 =	vld [tilespmem:s28+$0x20];
	[tilespmem:s29+$0x1B0] =	vst v0;
	v0 =	vmul.f32 $8.000000000e+00, v2  }
0xbe: {  	v2 =	vld [tilespmem:s28+$0x30];
	[tilespmem:s29+$0x1C0] =	vst v1;
	v1 =	vmul.f32 $8.000000000e+00, v3  }
0xbf: {  	v3 =	vld [tilespmem:s28+$0x40];
	v4 =	vmul.f32 $8.000000000e+00, v4;
	[tilespmem:s29+$0x1D0] =	vst v0  }
0xc0: {  	v0 =	vld [tilespmem:s28+$0x50];
	v7 =	vmul.f32 $8.000000000e+00, v7;
	[tilespmem:s29+$0x1E0] =	vst v1  }
0xc1: {  	v1 =	vmul.f32 $8.000000000e+00, v5;
	v5 =	vld [tilespmem:s28+$0x60];
	[tilespmem:s29+$0x0] =	vst v4;
	s29 =	smov.u32 s28  }
0xc2: {  	v4 =	vmul.f32 $8.000000000e+00, v6;
	v6 =	vld [tilespmem:s28+$0x70];
	[tilespmem:s28+$0x1F0] =	vst v7  }
0xc3: {  	[tilespmem:s28+$0x10] =	vst v1;
	v1 =	vmul.f32 $8.000000000e+00, v2;
	v2 =	vld [tilespmem:s28+$0x80]  }
0xc4: {  	[tilespmem:s28+$0x20] =	vst v4;
	v3 =	vmul.f32 $8.000000000e+00, v3;
	v4 =	vld [tilespmem:s28+$0x90]  }
0xc5: {  	[tilespmem:s28+$0x30] =	vst v1;
	v0 =	vmul.f32 $8.000000000e+00, v0;
	v1 =	vld [tilespmem:s28+$0xA0]  }
0xc6: {  	[tilespmem:s28+$0x40] =	vst v3;
	v3 =	vmul.f32 $8.000000000e+00, v5;
	v5 =	vld [tilespmem:s28+$0xB0]  }
0xc7: {  	[tilespmem:s28+$0x50] =	vst v0;
	v0 =	vmul.f32 $8.000000000e+00, v6;
	v6 =	vld [tilespmem:s28+$0xC0]  }
0xc8: {  	[tilespmem:s28+$0x60] =	vst v3;
	v2 =	vmul.f32 $8.000000000e+00, v2;
	v3 =	vld [tilespmem:s28+$0xD0]  }
0xc9: {  	[tilespmem:s28+$0x70] =	vst v0;
	v0 =	vmul.f32 $8.000000000e+00, v4;
	v4 =	vld [tilespmem:s28+$0xE0]  }
0xca: {  	[tilespmem:s28+$0x80] =	vst v2;
	v1 =	vmul.f32 $8.000000000e+00, v1;
	v2 =	vld [tilespmem:s28+$0xF0]  }
0xcb: {  	[tilespmem:s28+$0x90] =	vst v0;
	v0 =	vmul.f32 $8.000000000e+00, v5;
	v5 =	vld [tilespmem:s28+$0x100]  }
0xcc: {  	[tilespmem:s28+$0xA0] =	vst v1;
	v1 =	vmul.f32 $8.000000000e+00, v6;
	v6 =	vld [tilespmem:s28+$0x110]  }
0xcd: {  	[tilespmem:s28+$0xB0] =	vst v0;
	v0 =	vmul.f32 $8.000000000e+00, v3;
	v3 =	vld [tilespmem:s28+$0x120]  }
0xce: {  	[tilespmem:s28+$0xC0] =	vst v1;
	v1 =	vmul.f32 $8.000000000e+00, v4;
	v4 =	vld [tilespmem:s28+$0x130]  }
0xcf: {  	[tilespmem:s28+$0xD0] =	vst v0;
	v0 =	vmul.f32 $8.000000000e+00, v2;
	v2 =	vld [tilespmem:s28+$0x140]  }
0xd0: {  	[tilespmem:s28+$0xE0] =	vst v1;
	v1 =	vmul.f32 $8.000000000e+00, v5;
	v5 =	vld [tilespmem:s28+$0x150]  }
0xd1: {  	[tilespmem:s28+$0xF0] =	vst v0;
	v0 =	vmul.f32 $8.000000000e+00, v6;
	v6 =	vld [tilespmem:s28+$0x160]  }
0xd2: {  	[tilespmem:s28+$0x100] =	vst v1;
	v1 =	vmul.f32 $8.000000000e+00, v3;
	v3 =	vld [tilespmem:s28+$0x170]  }
0xd3: {  	[tilespmem:s28+$0x110] =	vst v0;
	v0 =	vmul.f32 $8.000000000e+00, v4;
	v4 =	vld [tilespmem:s28+$0x180]  }
0xd4: {  	[tilespmem:s28+$0x120] =	vst v1;
	v1 =	vmul.f32 $8.000000000e+00, v2;
	v7 =	vld [tilespmem:s28+$0x190]  }
0xd5: {  	[tilespmem:s28+$0x130] =	vst v0;
	v2 =	vmul.f32 $8.000000000e+00, v5;
	v8 =	vld [tilespmem:s28+$0x1A0]  }
.Ltmp4:
0xd6: {  	[tilespmem:s28+$0x140] =	vst v1;
	v5 =	vmul.f32 $8.000000000e+00, v6;
	v0 =	vld [tilespmem:s28+$0x1B0];
	(pc) =	sbr.rel @p1 .LBB2_9-.Ltmp4, $4  }
0xd7: {  	[tilespmem:s28+$0x150] =	vst v2;
	v3 =	vmul.f32 $8.000000000e+00, v3;
	v1 =	vld [tilespmem:s28+$0x1C0]  }
0xd8: {  	[tilespmem:s28+$0x160] =	vst v5;
	v6 =	vmul.f32 $8.000000000e+00, v4;
	v2 =	vld [tilespmem:s28+$0x1D0]  }
0xd9: {  	[tilespmem:s28+$0x170] =	vst v3;
	v5 =	vmul.f32 $8.000000000e+00, v7;
	v3 =	vld [tilespmem:s28+$0x1E0]  }
0xda: {  	s28 =	sadd.s32 $0x200, s28;
	v4 =	vld [tilespmem:s29+$0x0];
	[tilespmem:s29+$0x180] =	vst v6;
	v6 =	vmul.f32 $8.000000000e+00, v8  }
0xdb: {  	[tilespmem:s29+$0x190] =	vst v5;
	v0 =	vmul.f32 $8.000000000e+00, v0  }
0xdc: {  	[tilespmem:s29+$0x1A0] =	vst v6;
	v1 =	vmul.f32 $8.000000000e+00, v1  }
0xdd: {  	[tilespmem:s29+$0x1B0] =	vst v0;
	v0 =	vmul.f32 $8.000000000e+00, v2  }
0xde: {  	s25 =	sadd.s32 s0, s14;
	[tilespmem:s29+$0x1C0] =	vst v1;
	v1 =	vmul.f32 $8.000000000e+00, v3  }
0xdf: {  	s25 =	sshll.u32 s25, $0x3;
	v2 =	vmul.f32 $8.000000000e+00, v4;
	[tilespmem:s29+$0x1D0] =	vst v0  }
0xe0: {  	s25 =	sand.u32 $0x1FFFF800, s25;
	[tilespmem:s29+$0x1E0] =	vst v1  }
0xe1: {  	s28 =	simm.s32 $0x4500;
	s25 =	sadd.s32 s2, s25;
	[tilespmem:s29+$0x0] =	vst v2  }
0xe2: {  	[hbm4b:s25+s3] =	stream.linear.scatter [tilespmem:s28], [sflag:$0xC], $0x4000, $0x38;
	[tilespmem:$0x14500] =	vst v63  }
0xe3: {  	_ =	swait.ge [sflag:s11], $0x4000  }
0xe4: {  	[sflag:s11] =	ssyncset.done $0x0  }
0xe5: {  	s25 =	simm.s32 @!p0 $0x2;
	[sflag:s11] =	ssyncadd.s32 $0xFFFFC000  }
0xe6: {  	_ =	swait.ge @!p0 [sflag:s25], $0x100  }
0xe7: {  	[sflag:s25] =	ssyncset.done @!p0 $0x0  }
0xe8: {  	[sflag:s25] =	ssyncadd.s32 @!p0 $0xFFFFFF00;
	s25 =	simm.s32 @!p0 $0xC  }
0xe9: {  	_ =	swait.ge @!p0 [sflag:s25], $0x4000  }
0xea: {  	[sflag:s25] =	ssyncset.done @!p0 $0x0  }
0xeb: {  	s28 =	simm.s32 @!p0 $0x4500;
	[sflag:s25] =	ssyncadd.s32 @!p0 $0xFFFFC000;
	s25 =	simm.s32 @!p0 $0x100  }
0xec: {  	[tilespmem:s28], [sflag:$0x7] =	stream.indirect.gather @!p0 [hbm4b:s7+s25], $0x40, s25, s25, $0xb8;
	[tilespmem:$0x14500] =	vst v63  }
0xed: {  	s25 =	sadd.s32 @!p0 s0, s15  }
0xee: {  	s25 =	sshrl.u32 @!p0 s25, $0x3  }
0xef: {  	s29 =	simm.s32 @!p0 $0x200;
	s28 =	simm.s32 @!p0 $0x0;
	s25 =	sadd.s32 @!p0 s5, s25  }
0xf0: {  	[tilespmem:s29], [sflag:$0x3] =	stream.linear.gather @!p0 [hbm4b:s25+s28], $0x100, $0x38;
	[tilespmem:$0x14500] =	vst v63  }
0xf1: {  	s25 =	simm.s32 $0x8500  }
0xf2: {  	v0 =	vld [tilespmem:s25+$0x1F0]  }
0xf3: {  	v1 =	vld [tilespmem:s25+$0x10]  }
0xf4: {  	v2 =	vld [tilespmem:s25+$0x20]  }
0xf5: {  	v3 =	vld [tilespmem:s25+$0x30]  }
0xf6: {  	v4 =	vld [tilespmem:s25+$0x40]  }
0xf7: {  	v5 =	vld [tilespmem:s25+$0x50];
	v0 =	vmul.f32 $8.000000000e+00, v0  }
0xf8: {  	v6 =	vld [tilespmem:s25+$0x60];
	v1 =	vmul.f32 $8.000000000e+00, v1  }
0xf9: {  	v7 =	vld [tilespmem:s25+$0x70];
	v2 =	vmul.f32 $8.000000000e+00, v2;
	[tilespmem:s25+$0x1F0] =	vst v0  }
0xfa: {  	[tilespmem:s25+$0x10] =	vst v1;
	v0 =	vmul.f32 $8.000000000e+00, v3;
	v1 =	vld [tilespmem:s25+$0x80]  }
0xfb: {  	[tilespmem:s25+$0x20] =	vst v2;
	v2 =	vmul.f32 $8.000000000e+00, v4;
	v3 =	vld [tilespmem:s25+$0x90]  }
0xfc: {  	v4 =	vld [tilespmem:s25+$0xA0];
	[tilespmem:s25+$0x30] =	vst v0;
	v0 =	vmul.f32 $8.000000000e+00, v5  }
0xfd: {  	[tilespmem:s25+$0x40] =	vst v2;
	v2 =	vmul.f32 $8.000000000e+00, v6;
	v5 =	vld [tilespmem:s25+$0xB0]  }
0xfe: {  	v6 =	vld [tilespmem:s25+$0xC0];
	[tilespmem:s25+$0x50] =	vst v0;
	v0 =	vmul.f32 $8.000000000e+00, v7  }
0xff: {  	[tilespmem:s25+$0x60] =	vst v2;
	v2 =	vld [tilespmem:s25+$0xD0];
	v1 =	vmul.f32 $8.000000000e+00, v1  }
0x100: {  	[tilespmem:s25+$0x70] =	vst v0;
	v0 =	vmul.f32 $8.000000000e+00, v3;
	v3 =	vld [tilespmem:s25+$0xE0]  }
0x101: {  	[tilespmem:s25+$0x80] =	vst v1;
	v1 =	vmul.f32 $8.000000000e+00, v4;
	v4 =	vld [tilespmem:s25+$0xF0]  }
0x102: {  	[tilespmem:s25+$0x90] =	vst v0;
	v0 =	vmul.f32 $8.000000000e+00, v5;
	v5 =	vld [tilespmem:s25+$0x100]  }
0x103: {  	[tilespmem:s25+$0xA0] =	vst v1;
	v1 =	vmul.f32 $8.000000000e+00, v6;
	v6 =	vld [tilespmem:s25+$0x110]  }
0x104: {  	[tilespmem:s25+$0xB0] =	vst v0;
	v0 =	vmul.f32 $8.000000000e+00, v2;
	v2 =	vld [tilespmem:s25+$0x120]  }
0x105: {  	[tilespmem:s25+$0xC0] =	vst v1;
	v1 =	vmul.f32 $8.000000000e+00, v3;
	v3 =	vld [tilespmem:s25+$0x130]  }
0x106: {  	[tilespmem:s25+$0xD0] =	vst v0;
	v0 =	vmul.f32 $8.000000000e+00, v4;
	v4 =	vld [tilespmem:s25+$0x140]  }
0x107: {  	[tilespmem:s25+$0xE0] =	vst v1;
	v1 =	vmul.f32 $8.000000000e+00, v5;
	v5 =	vld [tilespmem:s25+$0x150]  }
0x108: {  	[tilespmem:s25+$0xF0] =	vst v0;
	v0 =	vmul.f32 $8.000000000e+00, v6;
	v6 =	vld [tilespmem:s25+$0x160]  }
0x109: {  	[tilespmem:s25+$0x100] =	vst v1;
	v1 =	vmul.f32 $8.000000000e+00, v2;
	v2 =	vld [tilespmem:s25+$0x170]  }
0x10a: {  	[tilespmem:s25+$0x110] =	vst v0;
	v0 =	vmul.f32 $8.000000000e+00, v3;
	v3 =	vld [tilespmem:s25+$0x180]  }
0x10b: {  	[tilespmem:s25+$0x120] =	vst v1;
	v1 =	vmul.f32 $8.000000000e+00, v4;
	v4 =	vld [tilespmem:s25+$0x190]  }
0x10c: {  	v7 =	vld [tilespmem:s25+$0x1A0];
	[tilespmem:s25+$0x130] =	vst v0;
	v5 =	vmul.f32 $8.000000000e+00, v5  }
0x10d: {  	v0 =	vld [tilespmem:s25+$0x1B0];
	[tilespmem:s25+$0x140] =	vst v1;
	v6 =	vmul.f32 $8.000000000e+00, v6  }
0x10e: {  	v1 =	vld [tilespmem:s25+$0x1C0];
	[tilespmem:s25+$0x150] =	vst v5;
	v2 =	vmul.f32 $8.000000000e+00, v2  }
0x10f: {  	[tilespmem:s25+$0x160] =	vst v6;
	v6 =	vmul.f32 $8.000000000e+00, v3;
	v3 =	vld [tilespmem:s25+$0x1D0]  }
0x110: {  	[tilespmem:s25+$0x170] =	vst v2;
	v2 =	vld [tilespmem:s25+$0x1E0];
	v5 =	vmul.f32 $8.000000000e+00, v4  }
0x111: {  	s29 =	simm.s32 $0x0;
	s28 =	simm.s32 $0x8700;
	v4 =	vld [tilespmem:s25+$0x0];
	[tilespmem:s25+$0x180] =	vst v6;
	v6 =	vmul.f32 $8.000000000e+00, v7  }
.LBB2_11:
0x112: {  	v7 =	vld [tilespmem:s28+$0x1F0];
	s29 =	sadd.s32 $0x8, s29;
	[tilespmem:s25+$0x190] =	vst v5;
	v0 =	vmul.f32 $8.000000000e+00, v0  }
0x113: {  	v5 =	vld [tilespmem:s28+$0x10];
	p1 =	slt.u32 s29, $0xF8;
	[tilespmem:s25+$0x1A0] =	vst v6;
	v1 =	vmul.f32 $8.000000000e+00, v1  }
0x114: {  	v6 =	vld [tilespmem:s28+$0x20];
	[tilespmem:s25+$0x1B0] =	vst v0;
	v0 =	vmul.f32 $8.000000000e+00, v3  }
0x115: {  	v3 =	vld [tilespmem:s28+$0x30];
	[tilespmem:s25+$0x1C0] =	vst v1;
	v1 =	vmul.f32 $8.000000000e+00, v2  }
0x116: {  	v2 =	vld [tilespmem:s28+$0x40];
	v4 =	vmul.f32 $8.000000000e+00, v4;
	[tilespmem:s25+$0x1D0] =	vst v0  }
0x117: {  	v0 =	vld [tilespmem:s28+$0x50];
	v7 =	vmul.f32 $8.000000000e+00, v7;
	[tilespmem:s25+$0x1E0] =	vst v1  }
0x118: {  	v1 =	vmul.f32 $8.000000000e+00, v5;
	v5 =	vld [tilespmem:s28+$0x60];
	[tilespmem:s25+$0x0] =	vst v4;
	s25 =	smov.u32 s28  }
0x119: {  	v4 =	vmul.f32 $8.000000000e+00, v6;
	v6 =	vld [tilespmem:s28+$0x70];
	[tilespmem:s28+$0x1F0] =	vst v7  }
0x11a: {  	[tilespmem:s28+$0x10] =	vst v1;
	v1 =	vmul.f32 $8.000000000e+00, v3;
	v3 =	vld [tilespmem:s28+$0x80]  }
0x11b: {  	[tilespmem:s28+$0x20] =	vst v4;
	v2 =	vmul.f32 $8.000000000e+00, v2;
	v4 =	vld [tilespmem:s28+$0x90]  }
0x11c: {  	[tilespmem:s28+$0x30] =	vst v1;
	v0 =	vmul.f32 $8.000000000e+00, v0;
	v1 =	vld [tilespmem:s28+$0xA0]  }
0x11d: {  	[tilespmem:s28+$0x40] =	vst v2;
	v2 =	vmul.f32 $8.000000000e+00, v5;
	v5 =	vld [tilespmem:s28+$0xB0]  }
0x11e: {  	[tilespmem:s28+$0x50] =	vst v0;
	v0 =	vmul.f32 $8.000000000e+00, v6;
	v6 =	vld [tilespmem:s28+$0xC0]  }
0x11f: {  	[tilespmem:s28+$0x60] =	vst v2;
	v2 =	vmul.f32 $8.000000000e+00, v3;
	v3 =	vld [tilespmem:s28+$0xD0]  }
0x120: {  	[tilespmem:s28+$0x70] =	vst v0;
	v0 =	vmul.f32 $8.000000000e+00, v4;
	v4 =	vld [tilespmem:s28+$0xE0]  }
0x121: {  	[tilespmem:s28+$0x80] =	vst v2;
	v1 =	vmul.f32 $8.000000000e+00, v1;
	v2 =	vld [tilespmem:s28+$0xF0]  }
0x122: {  	[tilespmem:s28+$0x90] =	vst v0;
	v0 =	vmul.f32 $8.000000000e+00, v5;
	v5 =	vld [tilespmem:s28+$0x100]  }
0x123: {  	[tilespmem:s28+$0xA0] =	vst v1;
	v1 =	vmul.f32 $8.000000000e+00, v6;
	v6 =	vld [tilespmem:s28+$0x110]  }
0x124: {  	[tilespmem:s28+$0xB0] =	vst v0;
	v0 =	vmul.f32 $8.000000000e+00, v3;
	v3 =	vld [tilespmem:s28+$0x120]  }
0x125: {  	[tilespmem:s28+$0xC0] =	vst v1;
	v1 =	vmul.f32 $8.000000000e+00, v4;
	v4 =	vld [tilespmem:s28+$0x130]  }
0x126: {  	[tilespmem:s28+$0xD0] =	vst v0;
	v0 =	vmul.f32 $8.000000000e+00, v2;
	v2 =	vld [tilespmem:s28+$0x140]  }
0x127: {  	[tilespmem:s28+$0xE0] =	vst v1;
	v1 =	vmul.f32 $8.000000000e+00, v5;
	v5 =	vld [tilespmem:s28+$0x150]  }
0x128: {  	[tilespmem:s28+$0xF0] =	vst v0;
	v0 =	vmul.f32 $8.000000000e+00, v6;
	v6 =	vld [tilespmem:s28+$0x160]  }
0x129: {  	[tilespmem:s28+$0x100] =	vst v1;
	v1 =	vmul.f32 $8.000000000e+00, v3;
	v3 =	vld [tilespmem:s28+$0x170]  }
0x12a: {  	[tilespmem:s28+$0x110] =	vst v0;
	v0 =	vmul.f32 $8.000000000e+00, v4;
	v4 =	vld [tilespmem:s28+$0x180]  }
0x12b: {  	[tilespmem:s28+$0x120] =	vst v1;
	v1 =	vmul.f32 $8.000000000e+00, v2;
	v2 =	vld [tilespmem:s28+$0x190]  }
0x12c: {  	[tilespmem:s28+$0x130] =	vst v0;
	v5 =	vmul.f32 $8.000000000e+00, v5;
	v7 =	vld [tilespmem:s28+$0x1A0]  }
.Ltmp5:
0x12d: {  	[tilespmem:s28+$0x140] =	vst v1;
	v6 =	vmul.f32 $8.000000000e+00, v6;
	v0 =	vld [tilespmem:s28+$0x1B0];
	(pc) =	sbr.rel @p1 .LBB2_11-.Ltmp5, $4  }
0x12e: {  	[tilespmem:s28+$0x150] =	vst v5;
	v5 =	vmul.f32 $8.000000000e+00, v3;
	v1 =	vld [tilespmem:s28+$0x1C0]  }
0x12f: {  	[tilespmem:s28+$0x160] =	vst v6;
	v6 =	vmul.f32 $8.000000000e+00, v4;
	v3 =	vld [tilespmem:s28+$0x1D0]  }
0x130: {  	[tilespmem:s28+$0x170] =	vst v5;
	v5 =	vmul.f32 $8.000000000e+00, v2;
	v2 =	vld [tilespmem:s28+$0x1E0]  }
0x131: {  	s28 =	sadd.s32 $0x200, s28;
	v4 =	vld [tilespmem:s25+$0x0];
	[tilespmem:s25+$0x180] =	vst v6;
	v6 =	vmul.f32 $8.000000000e+00, v7  }
0x132: {  	[tilespmem:s25+$0x190] =	vst v5;
	v0 =	vmul.f32 $8.000000000e+00, v0  }
0x133: {  	[tilespmem:s25+$0x1A0] =	vst v6;
	v1 =	vmul.f32 $8.000000000e+00, v1  }
0x134: {  	s29 =	smul.u32 $0x14000, s31;
	[tilespmem:s25+$0x1B0] =	vst v0;
	v0 =	vmul.f32 $8.000000000e+00, v3  }
0x135: {  	[tilespmem:s25+$0x1C0] =	vst v1;
	v1 =	vmul.f32 $8.000000000e+00, v2  }
0x136: {  	s28 =	sadd.s32 s16, s29;
	v2 =	vmul.f32 $8.000000000e+00, v4;
	[tilespmem:s25+$0x1D0] =	vst v0  }
0x137: {  	s28 =	sshrl.u32 s28, $0x3;
	[tilespmem:s25+$0x1E0] =	vst v1  }
0x138: {  	[tilespmem:s25+$0x0] =	vst v2;
	s25 =	sadd.s32 s2, s28  }
0x139: {  	[hbm4b:s25+s3] =	stream.linear.scatter [tilespmem:s1], [sflag:$0xD], $0x4000, $0x38;
	[tilespmem:$0x14500] =	vst v63  }
0x13a: {  	_ =	swait.ge [sflag:s21], $0x4000  }
0x13b: {  	[sflag:s21] =	ssyncset.done $0x0  }
0x13c: {  	s25 =	simm.s32 @!p0 $0x3;
	[sflag:s21] =	ssyncadd.s32 $0xFFFFC000  }
0x13d: {  	_ =	swait.ge @!p0 [sflag:s25], $0x100  }
0x13e: {  	[sflag:s25] =	ssyncset.done @!p0 $0x0  }
0x13f: {  	[sflag:s25] =	ssyncadd.s32 @!p0 $0xFFFFFF00;
	s25 =	simm.s32 @!p0 $0xD  }
0x140: {  	_ =	swait.ge @!p0 [sflag:s25], $0x4000  }
0x141: {  	s30 =	simm.s32 @!p0 $0x8500;
	[sflag:s25] =	ssyncset.done @!p0 $0x0  }
0x142: {  	s28 =	simm.s32 @!p0 $0x200;
	[sflag:s25] =	ssyncadd.s32 @!p0 $0xFFFFC000;
	s25 =	simm.s32 @!p0 $0x100  }
0x143: {  	[tilespmem:s30], [sflag:$0x8] =	stream.indirect.gather @!p0 [hbm4b:s7+s25], $0x40, s28, s25, $0xb8;
	[tilespmem:$0x14500] =	vst v63  }
0x144: {  	s25 =	sadd.s32 @!p0 s0, s17  }
0x145: {  	s25 =	sshrl.u32 @!p0 s25, $0x3  }
0x146: {  	s28 =	simm.s32 @!p0 $0x0;
	s30 =	simm.s32 @!p0 $0x300;
	s25 =	sadd.s32 @!p0 s5, s25  }
0x147: {  	[tilespmem:s30], [sflag:$0x4] =	stream.linear.gather @!p0 [hbm4b:s25+s28], $0x100, $0x38;
	[tilespmem:$0x14500] =	vst v63  }
0x148: {  	s25 =	simm.s32 $0xC500  }
0x149: {  	v0 =	vld [tilespmem:s25+$0x1F0]  }
0x14a: {  	v1 =	vld [tilespmem:s25+$0x10]  }
0x14b: {  	v2 =	vld [tilespmem:s25+$0x20]  }
0x14c: {  	v3 =	vld [tilespmem:s25+$0x30]  }
0x14d: {  	v4 =	vld [tilespmem:s25+$0x40]  }
0x14e: {  	v5 =	vld [tilespmem:s25+$0x50];
	v0 =	vmul.f32 $8.000000000e+00, v0  }
0x14f: {  	v6 =	vld [tilespmem:s25+$0x60];
	v1 =	vmul.f32 $8.000000000e+00, v1  }
0x150: {  	v7 =	vld [tilespmem:s25+$0x70];
	v2 =	vmul.f32 $8.000000000e+00, v2;
	[tilespmem:s25+$0x1F0] =	vst v0  }
0x151: {  	[tilespmem:s25+$0x10] =	vst v1;
	v0 =	vmul.f32 $8.000000000e+00, v3;
	v1 =	vld [tilespmem:s25+$0x80]  }
0x152: {  	[tilespmem:s25+$0x20] =	vst v2;
	v2 =	vmul.f32 $8.000000000e+00, v4;
	v3 =	vld [tilespmem:s25+$0x90]  }
0x153: {  	v4 =	vld [tilespmem:s25+$0xA0];
	[tilespmem:s25+$0x30] =	vst v0;
	v0 =	vmul.f32 $8.000000000e+00, v5  }
0x154: {  	[tilespmem:s25+$0x40] =	vst v2;
	v2 =	vmul.f32 $8.000000000e+00, v6;
	v5 =	vld [tilespmem:s25+$0xB0]  }
0x155: {  	v6 =	vld [tilespmem:s25+$0xC0];
	[tilespmem:s25+$0x50] =	vst v0;
	v0 =	vmul.f32 $8.000000000e+00, v7  }
0x156: {  	[tilespmem:s25+$0x60] =	vst v2;
	v2 =	vld [tilespmem:s25+$0xD0];
	v1 =	vmul.f32 $8.000000000e+00, v1  }
0x157: {  	[tilespmem:s25+$0x70] =	vst v0;
	v0 =	vmul.f32 $8.000000000e+00, v3;
	v3 =	vld [tilespmem:s25+$0xE0]  }
0x158: {  	[tilespmem:s25+$0x80] =	vst v1;
	v1 =	vmul.f32 $8.000000000e+00, v4;
	v4 =	vld [tilespmem:s25+$0xF0]  }
0x159: {  	[tilespmem:s25+$0x90] =	vst v0;
	v0 =	vmul.f32 $8.000000000e+00, v5;
	v5 =	vld [tilespmem:s25+$0x100]  }
0x15a: {  	[tilespmem:s25+$0xA0] =	vst v1;
	v1 =	vmul.f32 $8.000000000e+00, v6;
	v6 =	vld [tilespmem:s25+$0x110]  }
0x15b: {  	[tilespmem:s25+$0xB0] =	vst v0;
	v0 =	vmul.f32 $8.000000000e+00, v2;
	v2 =	vld [tilespmem:s25+$0x120]  }
0x15c: {  	[tilespmem:s25+$0xC0] =	vst v1;
	v1 =	vmul.f32 $8.000000000e+00, v3;
	v3 =	vld [tilespmem:s25+$0x130]  }
0x15d: {  	[tilespmem:s25+$0xD0] =	vst v0;
	v0 =	vmul.f32 $8.000000000e+00, v4;
	v4 =	vld [tilespmem:s25+$0x140]  }
0x15e: {  	[tilespmem:s25+$0xE0] =	vst v1;
	v1 =	vmul.f32 $8.000000000e+00, v5;
	v5 =	vld [tilespmem:s25+$0x150]  }
0x15f: {  	[tilespmem:s25+$0xF0] =	vst v0;
	v0 =	vmul.f32 $8.000000000e+00, v6;
	v6 =	vld [tilespmem:s25+$0x160]  }
0x160: {  	[tilespmem:s25+$0x100] =	vst v1;
	v1 =	vmul.f32 $8.000000000e+00, v2;
	v2 =	vld [tilespmem:s25+$0x170]  }
0x161: {  	[tilespmem:s25+$0x110] =	vst v0;
	v0 =	vmul.f32 $8.000000000e+00, v3;
	v3 =	vld [tilespmem:s25+$0x180]  }
0x162: {  	[tilespmem:s25+$0x120] =	vst v1;
	v1 =	vmul.f32 $8.000000000e+00, v4;
	v4 =	vld [tilespmem:s25+$0x190]  }
0x163: {  	v7 =	vld [tilespmem:s25+$0x1A0];
	[tilespmem:s25+$0x130] =	vst v0;
	v5 =	vmul.f32 $8.000000000e+00, v5  }
0x164: {  	v0 =	vld [tilespmem:s25+$0x1B0];
	[tilespmem:s25+$0x140] =	vst v1;
	v6 =	vmul.f32 $8.000000000e+00, v6  }
0x165: {  	v1 =	vld [tilespmem:s25+$0x1C0];
	[tilespmem:s25+$0x150] =	vst v5;
	v5 =	vmul.f32 $8.000000000e+00, v2  }
0x166: {  	v2 =	vld [tilespmem:s25+$0x1D0];
	[tilespmem:s25+$0x160] =	vst v6;
	v6 =	vmul.f32 $8.000000000e+00, v3  }
0x167: {  	v3 =	vld [tilespmem:s25+$0x1E0];
	[tilespmem:s25+$0x170] =	vst v5;
	v5 =	vmul.f32 $8.000000000e+00, v4  }
0x168: {  	s28 =	simm.s32 $0x0;
	s30 =	simm.s32 $0xC700;
	v4 =	vld [tilespmem:s25+$0x0];
	[tilespmem:s25+$0x180] =	vst v6;
	v6 =	vmul.f32 $8.000000000e+00, v7  }
.LBB2_13:
0x169: {  	v7 =	vld [tilespmem:s30+$0x1F0];
	s28 =	sadd.s32 $0x8, s28;
	[tilespmem:s25+$0x190] =	vst v5;
	v0 =	vmul.f32 $8.000000000e+00, v0  }
0x16a: {  	v5 =	vld [tilespmem:s30+$0x10];
	p1 =	slt.u32 s28, $0xF8;
	[tilespmem:s25+$0x1A0] =	vst v6;
	v1 =	vmul.f32 $8.000000000e+00, v1  }
0x16b: {  	v6 =	vld [tilespmem:s30+$0x20];
	[tilespmem:s25+$0x1B0] =	vst v0;
	v0 =	vmul.f32 $8.000000000e+00, v2  }
0x16c: {  	v2 =	vld [tilespmem:s30+$0x30];
	[tilespmem:s25+$0x1C0] =	vst v1;
	v1 =	vmul.f32 $8.000000000e+00, v3  }
0x16d: {  	v3 =	vld [tilespmem:s30+$0x40];
	v4 =	vmul.f32 $8.000000000e+00, v4;
	[tilespmem:s25+$0x1D0] =	vst v0  }
0x16e: {  	v0 =	vld [tilespmem:s30+$0x50];
	v7 =	vmul.f32 $8.000000000e+00, v7;
	[tilespmem:s25+$0x1E0] =	vst v1  }
0x16f: {  	v1 =	vmul.f32 $8.000000000e+00, v5;
	v5 =	vld [tilespmem:s30+$0x60];
	[tilespmem:s25+$0x0] =	vst v4;
	s25 =	smov.u32 s30  }
0x170: {  	v4 =	vmul.f32 $8.000000000e+00, v6;
	v6 =	vld [tilespmem:s30+$0x70];
	[tilespmem:s30+$0x1F0] =	vst v7  }
0x171: {  	[tilespmem:s30+$0x10] =	vst v1;
	v1 =	vmul.f32 $8.000000000e+00, v2;
	v2 =	vld [tilespmem:s30+$0x80]  }
0x172: {  	[tilespmem:s30+$0x20] =	vst v4;
	v3 =	vmul.f32 $8.000000000e+00, v3;
	v4 =	vld [tilespmem:s30+$0x90]  }
0x173: {  	[tilespmem:s30+$0x30] =	vst v1;
	v0 =	vmul.f32 $8.000000000e+00, v0;
	v1 =	vld [tilespmem:s30+$0xA0]  }
0x174: {  	[tilespmem:s30+$0x40] =	vst v3;
	v3 =	vmul.f32 $8.000000000e+00, v5;
	v5 =	vld [tilespmem:s30+$0xB0]  }
0x175: {  	[tilespmem:s30+$0x50] =	vst v0;
	v0 =	vmul.f32 $8.000000000e+00, v6;
	v6 =	vld [tilespmem:s30+$0xC0]  }
0x176: {  	[tilespmem:s30+$0x60] =	vst v3;
	v2 =	vmul.f32 $8.000000000e+00, v2;
	v3 =	vld [tilespmem:s30+$0xD0]  }
0x177: {  	[tilespmem:s30+$0x70] =	vst v0;
	v0 =	vmul.f32 $8.000000000e+00, v4;
	v4 =	vld [tilespmem:s30+$0xE0]  }
0x178: {  	[tilespmem:s30+$0x80] =	vst v2;
	v1 =	vmul.f32 $8.000000000e+00, v1;
	v2 =	vld [tilespmem:s30+$0xF0]  }
0x179: {  	[tilespmem:s30+$0x90] =	vst v0;
	v0 =	vmul.f32 $8.000000000e+00, v5;
	v5 =	vld [tilespmem:s30+$0x100]  }
0x17a: {  	[tilespmem:s30+$0xA0] =	vst v1;
	v1 =	vmul.f32 $8.000000000e+00, v6;
	v6 =	vld [tilespmem:s30+$0x110]  }
0x17b: {  	[tilespmem:s30+$0xB0] =	vst v0;
	v0 =	vmul.f32 $8.000000000e+00, v3;
	v3 =	vld [tilespmem:s30+$0x120]  }
0x17c: {  	[tilespmem:s30+$0xC0] =	vst v1;
	v1 =	vmul.f32 $8.000000000e+00, v4;
	v4 =	vld [tilespmem:s30+$0x130]  }
0x17d: {  	[tilespmem:s30+$0xD0] =	vst v0;
	v0 =	vmul.f32 $8.000000000e+00, v2;
	v2 =	vld [tilespmem:s30+$0x140]  }
0x17e: {  	[tilespmem:s30+$0xE0] =	vst v1;
	v1 =	vmul.f32 $8.000000000e+00, v5;
	v5 =	vld [tilespmem:s30+$0x150]  }
0x17f: {  	[tilespmem:s30+$0xF0] =	vst v0;
	v0 =	vmul.f32 $8.000000000e+00, v6;
	v6 =	vld [tilespmem:s30+$0x160]  }
0x180: {  	[tilespmem:s30+$0x100] =	vst v1;
	v1 =	vmul.f32 $8.000000000e+00, v3;
	v3 =	vld [tilespmem:s30+$0x170]  }
0x181: {  	[tilespmem:s30+$0x110] =	vst v0;
	v0 =	vmul.f32 $8.000000000e+00, v4;
	v4 =	vld [tilespmem:s30+$0x180]  }
0x182: {  	[tilespmem:s30+$0x120] =	vst v1;
	v1 =	vmul.f32 $8.000000000e+00, v2;
	v7 =	vld [tilespmem:s30+$0x190]  }
0x183: {  	[tilespmem:s30+$0x130] =	vst v0;
	v2 =	vmul.f32 $8.000000000e+00, v5;
	v8 =	vld [tilespmem:s30+$0x1A0]  }
.Ltmp6:
0x184: {  	[tilespmem:s30+$0x140] =	vst v1;
	v5 =	vmul.f32 $8.000000000e+00, v6;
	v0 =	vld [tilespmem:s30+$0x1B0];
	(pc) =	sbr.rel @p1 .LBB2_13-.Ltmp6, $4  }
0x185: {  	[tilespmem:s30+$0x150] =	vst v2;
	v3 =	vmul.f32 $8.000000000e+00, v3;
	v1 =	vld [tilespmem:s30+$0x1C0]  }
0x186: {  	[tilespmem:s30+$0x160] =	vst v5;
	v6 =	vmul.f32 $8.000000000e+00, v4;
	v2 =	vld [tilespmem:s30+$0x1D0]  }
0x187: {  	[tilespmem:s30+$0x170] =	vst v3;
	v5 =	vmul.f32 $8.000000000e+00, v7;
	v3 =	vld [tilespmem:s30+$0x1E0]  }
0x188: {  	s30 =	sadd.s32 $0x200, s30;
	v4 =	vld [tilespmem:s25+$0x0];
	[tilespmem:s25+$0x180] =	vst v6;
	v6 =	vmul.f32 $8.000000000e+00, v8  }
0x189: {  	[tilespmem:s25+$0x190] =	vst v5;
	v0 =	vmul.f32 $8.000000000e+00, v0  }
0x18a: {  	[tilespmem:s25+$0x1A0] =	vst v6;
	v1 =	vmul.f32 $8.000000000e+00, v1  }
0x18b: {  	[tilespmem:s25+$0x1B0] =	vst v0;
	v0 =	vmul.f32 $8.000000000e+00, v2  }
0x18c: {  	[tilespmem:s25+$0x1C0] =	vst v1;
	v1 =	vmul.f32 $8.000000000e+00, v3  }
0x18d: {  	s28 =	sadd.s32 s18, s29;
	v2 =	vmul.f32 $8.000000000e+00, v4;
	[tilespmem:s25+$0x1D0] =	vst v0  }
0x18e: {  	s28 =	sshrl.u32 s28, $0x3;
	[tilespmem:s25+$0x1E0] =	vst v1  }
0x18f: {  	s30 =	sadd.s32 s2, s28;
	[tilespmem:s25+$0x0] =	vst v2  }
0x190: {  	[hbm4b:s30+s3] =	stream.linear.scatter [tilespmem:s23], [sflag:$0xE], $0x4000, $0x38;
	[tilespmem:$0x14500] =	vst v63  }
0x191: {  	_ =	swait.ge [sflag:s6], $0x4000  }
0x192: {  	[sflag:s6] =	ssyncset.done $0x0  }
0x193: {  	s25 =	simm.s32 @!p0 $0x4;
	[sflag:s6] =	ssyncadd.s32 $0xFFFFC000  }
0x194: {  	_ =	swait.ge @!p0 [sflag:s25], $0x100  }
0x195: {  	[sflag:s25] =	ssyncset.done @!p0 $0x0  }
0x196: {  	[sflag:s25] =	ssyncadd.s32 @!p0 $0xFFFFFF00;
	s25 =	simm.s32 @!p0 $0xE  }
0x197: {  	s0 =	sadd.s32 @!p0 s0, s19;
	_ =	swait.ge @!p0 [sflag:s25], $0x4000  }
0x198: {  	s0 =	sshrl.u32 @!p0 s0, $0x3;
	s28 =	simm.s32 @!p0 $0x300;
	[sflag:s25] =	ssyncset.done @!p0 $0x0  }
0x199: {  	s30 =	simm.s32 @!p0 $0xC500;
	[sflag:s25] =	ssyncadd.s32 @!p0 $0xFFFFC000;
	s25 =	simm.s32 @!p0 $0x100  }
0x19a: {  	[tilespmem:s30], [sflag:$0x9] =	stream.indirect.gather @!p0 [hbm4b:s7+s25], $0x40, s28, s25, $0xb8;
	[tilespmem:$0x14500] =	vst v63  }
0x19b: {  	s0 =	sadd.s32 @!p0 s5, s0;
	s25 =	simm.s32 @!p0 $0x0;
	s28 =	simm.s32 @!p0 $0x400  }
0x19c: {  	[tilespmem:s28], [sflag:$0x5] =	stream.linear.gather @!p0 [hbm4b:s0+s25], $0x100, $0x38;
	[tilespmem:$0x14500] =	vst v63  }
0x19d: {  	s0 =	simm.s32 $0x10500  }
0x19e: {  	v0 =	vld [tilespmem:s0+$0x1F0]  }
0x19f: {  	v1 =	vld [tilespmem:s0+$0x10]  }
0x1a0: {  	v2 =	vld [tilespmem:s0+$0x20]  }
0x1a1: {  	v3 =	vld [tilespmem:s0+$0x30]  }
0x1a2: {  	v4 =	vld [tilespmem:s0+$0x40]  }
0x1a3: {  	v5 =	vld [tilespmem:s0+$0x50];
	v0 =	vmul.f32 $8.000000000e+00, v0  }
0x1a4: {  	v6 =	vld [tilespmem:s0+$0x60];
	v1 =	vmul.f32 $8.000000000e+00, v1  }
0x1a5: {  	v7 =	vld [tilespmem:s0+$0x70];
	v2 =	vmul.f32 $8.000000000e+00, v2;
	[tilespmem:s0+$0x1F0] =	vst v0  }
0x1a6: {  	[tilespmem:s0+$0x10] =	vst v1;
	v0 =	vmul.f32 $8.000000000e+00, v3;
	v1 =	vld [tilespmem:s0+$0x80]  }
0x1a7: {  	[tilespmem:s0+$0x20] =	vst v2;
	v2 =	vmul.f32 $8.000000000e+00, v4;
	v3 =	vld [tilespmem:s0+$0x90]  }
0x1a8: {  	v4 =	vld [tilespmem:s0+$0xA0];
	[tilespmem:s0+$0x30] =	vst v0;
	v0 =	vmul.f32 $8.000000000e+00, v5  }
0x1a9: {  	[tilespmem:s0+$0x40] =	vst v2;
	v2 =	vmul.f32 $8.000000000e+00, v6;
	v5 =	vld [tilespmem:s0+$0xB0]  }
0x1aa: {  	v6 =	vld [tilespmem:s0+$0xC0];
	[tilespmem:s0+$0x50] =	vst v0;
	v0 =	vmul.f32 $8.000000000e+00, v7  }
0x1ab: {  	[tilespmem:s0+$0x60] =	vst v2;
	v2 =	vld [tilespmem:s0+$0xD0];
	v1 =	vmul.f32 $8.000000000e+00, v1  }
0x1ac: {  	[tilespmem:s0+$0x70] =	vst v0;
	v0 =	vmul.f32 $8.000000000e+00, v3;
	v3 =	vld [tilespmem:s0+$0xE0]  }
0x1ad: {  	[tilespmem:s0+$0x80] =	vst v1;
	v1 =	vmul.f32 $8.000000000e+00, v4;
	v4 =	vld [tilespmem:s0+$0xF0]  }
0x1ae: {  	[tilespmem:s0+$0x90] =	vst v0;
	v0 =	vmul.f32 $8.000000000e+00, v5;
	v5 =	vld [tilespmem:s0+$0x100]  }
0x1af: {  	[tilespmem:s0+$0xA0] =	vst v1;
	v1 =	vmul.f32 $8.000000000e+00, v6;
	v6 =	vld [tilespmem:s0+$0x110]  }
0x1b0: {  	[tilespmem:s0+$0xB0] =	vst v0;
	v0 =	vmul.f32 $8.000000000e+00, v2;
	v2 =	vld [tilespmem:s0+$0x120]  }
0x1b1: {  	[tilespmem:s0+$0xC0] =	vst v1;
	v1 =	vmul.f32 $8.000000000e+00, v3;
	v3 =	vld [tilespmem:s0+$0x130]  }
0x1b2: {  	[tilespmem:s0+$0xD0] =	vst v0;
	v0 =	vmul.f32 $8.000000000e+00, v4;
	v4 =	vld [tilespmem:s0+$0x140]  }
0x1b3: {  	[tilespmem:s0+$0xE0] =	vst v1;
	v1 =	vmul.f32 $8.000000000e+00, v5;
	v5 =	vld [tilespmem:s0+$0x150]  }
0x1b4: {  	[tilespmem:s0+$0xF0] =	vst v0;
	v0 =	vmul.f32 $8.000000000e+00, v6;
	v6 =	vld [tilespmem:s0+$0x160]  }
0x1b5: {  	[tilespmem:s0+$0x100] =	vst v1;
	v1 =	vmul.f32 $8.000000000e+00, v2;
	v2 =	vld [tilespmem:s0+$0x170]  }
0x1b6: {  	[tilespmem:s0+$0x110] =	vst v0;
	v0 =	vmul.f32 $8.000000000e+00, v3;
	v3 =	vld [tilespmem:s0+$0x180]  }
0x1b7: {  	[tilespmem:s0+$0x120] =	vst v1;
	v1 =	vmul.f32 $8.000000000e+00, v4;
	v4 =	vld [tilespmem:s0+$0x190]  }
0x1b8: {  	v7 =	vld [tilespmem:s0+$0x1A0];
	[tilespmem:s0+$0x130] =	vst v0;
	v5 =	vmul.f32 $8.000000000e+00, v5  }
0x1b9: {  	v0 =	vld [tilespmem:s0+$0x1B0];
	[tilespmem:s0+$0x140] =	vst v1;
	v6 =	vmul.f32 $8.000000000e+00, v6  }
0x1ba: {  	v1 =	vld [tilespmem:s0+$0x1C0];
	[tilespmem:s0+$0x150] =	vst v5;
	v5 =	vmul.f32 $8.000000000e+00, v2  }
0x1bb: {  	v2 =	vld [tilespmem:s0+$0x1D0];
	[tilespmem:s0+$0x160] =	vst v6;
	v6 =	vmul.f32 $8.000000000e+00, v3  }
0x1bc: {  	v3 =	vld [tilespmem:s0+$0x1E0];
	[tilespmem:s0+$0x170] =	vst v5;
	v5 =	vmul.f32 $8.000000000e+00, v4  }
0x1bd: {  	s25 =	simm.s32 $0x0;
	s28 =	simm.s32 $0x10700;
	v4 =	vld [tilespmem:s0+$0x0];
	[tilespmem:s0+$0x180] =	vst v6;
	v6 =	vmul.f32 $8.000000000e+00, v7  }
.LBB2_15:
0x1be: {  	v7 =	vld [tilespmem:s28+$0x1F0];
	s25 =	sadd.s32 $0x8, s25;
	[tilespmem:s0+$0x190] =	vst v5;
	v0 =	vmul.f32 $8.000000000e+00, v0  }
0x1bf: {  	v5 =	vld [tilespmem:s28+$0x10];
	p0 =	slt.u32 s25, $0xF8;
	[tilespmem:s0+$0x1A0] =	vst v6;
	v1 =	vmul.f32 $8.000000000e+00, v1  }
0x1c0: {  	v6 =	vld [tilespmem:s28+$0x20];
	[tilespmem:s0+$0x1B0] =	vst v0;
	v0 =	vmul.f32 $8.000000000e+00, v2  }
0x1c1: {  	v2 =	vld [tilespmem:s28+$0x30];
	[tilespmem:s0+$0x1C0] =	vst v1;
	v1 =	vmul.f32 $8.000000000e+00, v3  }
0x1c2: {  	v3 =	vld [tilespmem:s28+$0x40];
	v4 =	vmul.f32 $8.000000000e+00, v4;
	[tilespmem:s0+$0x1D0] =	vst v0  }
0x1c3: {  	v0 =	vld [tilespmem:s28+$0x50];
	v7 =	vmul.f32 $8.000000000e+00, v7;
	[tilespmem:s0+$0x1E0] =	vst v1  }
0x1c4: {  	v1 =	vmul.f32 $8.000000000e+00, v5;
	v5 =	vld [tilespmem:s28+$0x60];
	[tilespmem:s0+$0x0] =	vst v4;
	s0 =	smov.u32 s28  }
0x1c5: {  	v4 =	vmul.f32 $8.000000000e+00, v6;
	v6 =	vld [tilespmem:s28+$0x70];
	[tilespmem:s28+$0x1F0] =	vst v7  }
0x1c6: {  	[tilespmem:s28+$0x10] =	vst v1;
	v1 =	vmul.f32 $8.000000000e+00, v2;
	v2 =	vld [tilespmem:s28+$0x80]  }
0x1c7: {  	[tilespmem:s28+$0x20] =	vst v4;
	v3 =	vmul.f32 $8.000000000e+00, v3;
	v4 =	vld [tilespmem:s28+$0x90]  }
0x1c8: {  	[tilespmem:s28+$0x30] =	vst v1;
	v0 =	vmul.f32 $8.000000000e+00, v0;
	v1 =	vld [tilespmem:s28+$0xA0]  }
0x1c9: {  	[tilespmem:s28+$0x40] =	vst v3;
	v3 =	vmul.f32 $8.000000000e+00, v5;
	v5 =	vld [tilespmem:s28+$0xB0]  }
0x1ca: {  	[tilespmem:s28+$0x50] =	vst v0;
	v0 =	vmul.f32 $8.000000000e+00, v6;
	v6 =	vld [tilespmem:s28+$0xC0]  }
0x1cb: {  	[tilespmem:s28+$0x60] =	vst v3;
	v2 =	vmul.f32 $8.000000000e+00, v2;
	v3 =	vld [tilespmem:s28+$0xD0]  }
0x1cc: {  	[tilespmem:s28+$0x70] =	vst v0;
	v0 =	vmul.f32 $8.000000000e+00, v4;
	v4 =	vld [tilespmem:s28+$0xE0]  }
0x1cd: {  	[tilespmem:s28+$0x80] =	vst v2;
	v1 =	vmul.f32 $8.000000000e+00, v1;
	v2 =	vld [tilespmem:s28+$0xF0]  }
0x1ce: {  	[tilespmem:s28+$0x90] =	vst v0;
	v0 =	vmul.f32 $8.000000000e+00, v5;
	v5 =	vld [tilespmem:s28+$0x100]  }
0x1cf: {  	[tilespmem:s28+$0xA0] =	vst v1;
	v1 =	vmul.f32 $8.000000000e+00, v6;
	v6 =	vld [tilespmem:s28+$0x110]  }
0x1d0: {  	[tilespmem:s28+$0xB0] =	vst v0;
	v0 =	vmul.f32 $8.000000000e+00, v3;
	v3 =	vld [tilespmem:s28+$0x120]  }
0x1d1: {  	[tilespmem:s28+$0xC0] =	vst v1;
	v1 =	vmul.f32 $8.000000000e+00, v4;
	v4 =	vld [tilespmem:s28+$0x130]  }
0x1d2: {  	[tilespmem:s28+$0xD0] =	vst v0;
	v0 =	vmul.f32 $8.000000000e+00, v2;
	v2 =	vld [tilespmem:s28+$0x140]  }
0x1d3: {  	[tilespmem:s28+$0xE0] =	vst v1;
	v1 =	vmul.f32 $8.000000000e+00, v5;
	v5 =	vld [tilespmem:s28+$0x150]  }
0x1d4: {  	[tilespmem:s28+$0xF0] =	vst v0;
	v0 =	vmul.f32 $8.000000000e+00, v6;
	v6 =	vld [tilespmem:s28+$0x160]  }
0x1d5: {  	[tilespmem:s28+$0x100] =	vst v1;
	v1 =	vmul.f32 $8.000000000e+00, v3;
	v3 =	vld [tilespmem:s28+$0x170]  }
0x1d6: {  	[tilespmem:s28+$0x110] =	vst v0;
	v0 =	vmul.f32 $8.000000000e+00, v4;
	v4 =	vld [tilespmem:s28+$0x180]  }
0x1d7: {  	[tilespmem:s28+$0x120] =	vst v1;
	v1 =	vmul.f32 $8.000000000e+00, v2;
	v7 =	vld [tilespmem:s28+$0x190]  }
0x1d8: {  	[tilespmem:s28+$0x130] =	vst v0;
	v2 =	vmul.f32 $8.000000000e+00, v5;
	v8 =	vld [tilespmem:s28+$0x1A0]  }
.Ltmp7:
0x1d9: {  	[tilespmem:s28+$0x140] =	vst v1;
	v5 =	vmul.f32 $8.000000000e+00, v6;
	v0 =	vld [tilespmem:s28+$0x1B0];
	(pc) =	sbr.rel @p0 .LBB2_15-.Ltmp7, $4  }
0x1da: {  	[tilespmem:s28+$0x150] =	vst v2;
	v3 =	vmul.f32 $8.000000000e+00, v3;
	v1 =	vld [tilespmem:s28+$0x1C0]  }
0x1db: {  	[tilespmem:s28+$0x160] =	vst v5;
	v6 =	vmul.f32 $8.000000000e+00, v4;
	v2 =	vld [tilespmem:s28+$0x1D0]  }
0x1dc: {  	[tilespmem:s28+$0x170] =	vst v3;
	v5 =	vmul.f32 $8.000000000e+00, v7;
	v3 =	vld [tilespmem:s28+$0x1E0]  }
0x1dd: {  	s28 =	sadd.s32 $0x200, s28;
	v4 =	vld [tilespmem:s0+$0x0];
	[tilespmem:s0+$0x180] =	vst v6;
	v6 =	vmul.f32 $8.000000000e+00, v8  }
0x1de: {  	[tilespmem:s0+$0x190] =	vst v5;
	v0 =	vmul.f32 $8.000000000e+00, v0  }
0x1df: {  	s31 =	sadd.s32 $0x1, s31;
	[tilespmem:s0+$0x1A0] =	vst v6;
	v1 =	vmul.f32 $8.000000000e+00, v1  }
0x1e0: {  	p0 =	sne.s32 s31, $0x14;
	[tilespmem:s0+$0x1B0] =	vst v0;
	v61 =	vmul.f32 $8.000000000e+00, v2  }
.Ltmp8:
0x1e1: {  	[tilespmem:s0+$0x1C0] =	vst v1;
	v62 =	vmul.f32 $8.000000000e+00, v3;
	(pc) =	sbr.rel @p0 .LBB2_2-.Ltmp8, $4  }
0x1e2: {  	s25 =	sadd.s32 s20, s29;
	v63 =	vmul.f32 $8.000000000e+00, v4;
	[tilespmem:s0+$0x1D0] =	vst v61  }
0x1e3: {  	s25 =	sshrl.u32 s25, $0x3;
	[tilespmem:s0+$0x1E0] =	vst v62  }
0x1e4: {  	s30 =	sadd.s32 s2, s25;
	[tilespmem:s0+$0x0] =	vst v63  }
0x1e5: {  	[hbm4b:s30+s3] =	stream.linear.scatter [tilespmem:s9], [sflag:$0xF], $0x4000, $0x38;
	[tilespmem:$0x14500] =	vst v63  }
0x1e6: {  	s0 =	simm.s32 $0xB  }
0x1e7: {  	_ =	swait.ge [sflag:s0], $0x4000  }
0x1e8: {  	[sflag:s0] =	ssyncset.done $0x0  }
0x1e9: {  	s28 =	simm.s32 $0xC;
	[sflag:s0] =	ssyncadd.s32 $0xFFFFC000  }
0x1ea: {  	_ =	swait.ge [sflag:s28], $0x4000  }
0x1eb: {  	[sflag:s28] =	ssyncset.done $0x0  }
0x1ec: {  	s29 =	simm.s32 $0xD;
	[sflag:s28] =	ssyncadd.s32 $0xFFFFC000  }
0x1ed: {  	_ =	swait.ge [sflag:s29], $0x4000  }
0x1ee: {  	[sflag:s29] =	ssyncset.done $0x0  }
0x1ef: {  	s30 =	simm.s32 $0xE;
	[sflag:s29] =	ssyncadd.s32 $0xFFFFC000  }
0x1f0: {  	_ =	swait.ge [sflag:s30], $0x4000  }
0x1f1: {  	[sflag:s30] =	ssyncset.done $0x0  }
0x1f2: {  	[sflag:s30] =	ssyncadd.s32 $0xFFFFC000  }
0x1f3: {  	_ =	swait.ge [sflag:s26], $0x4000  }
0x1f4: {  	s25 =	rddreg [dreg:$0x9]  }
0x1f5: {  	s31 =	rddreg [dreg:$0x8];
	s25 =	sadd.s32 $0x1, s25  }
0x1f6: {  	p0 =	sne.s32 s25, s31  }
.Ltmp9:
0x1f7: {  	_ = 	snop;
	(pc) =	sbr.rel @p0 .LBB2_1-.Ltmp9, $3  }
0x1f8: {  	_ =	sdelay $0x1  }
0x1f9: {  	[sflag:s26] =	ssyncset.done $0x0  }
0x1fa: {  	[sflag:s26] =	ssyncadd.s32 $0xFFFFC000  }
0x1fb: {  	_ =	sfence.sel $0x180000  }
0x1fc: {  	[bflag:$0x0] =	sbarrier.arrive $0xFFFF  }
0x1fd: {  	_ =	strace $0x90000047  }
0x1fe: {  	s0 =	stileid.u32;
	[bflag:$0x2] =	sbarrier.arrive $0xFFFF  }
0x1ff: {  	p0 =	sne.s32 s0, $0x0;
	s0 =	rddreg [dreg:$0x2]  }
0x200: {  	s0 =	sadd.s32 @!p0 $0x100000, s0  }
0x201: {  	[sflag:s0] =	ssyncadd.tile.s32 @!p0 $0x1;
	_ =	shalt  }
.Lfunc_end2:
_tile_overlayer_lowered:
.L_overlay_start_2:
0x202: {  	(tag) =	ssettag $0x2  }
0x203: {  	s0 =	rddreg [dreg:$0x0];
	s2 =	stileid.u32  }
0x204: {  	s1 =	rddreg [dreg:$0x1];
	p0 =	sne.s32 s2, $0x0  }
0x205: {  	s3 =	rddreg [dreg:$0x2];
	[bflag:$0x3] =	sbarrier.arrive $0xFFFF;
	s2 =	simm.s32 @!p0 $0x1C10  }
0x206: {  	[timem:s3], [sflag:s2] =	dma.local @!p0 [hbm:s0], s1  }
0x207: {  	s0 =	simm.s32 @!p0 $0x10  }
0x208: {  	_ =	swait.ge @!p0 [sflag:s0], s1  }
0x209: {  	s1 =	ssub.s32 @!p0 $0x0, s1;
	[sflag:s0] =	ssyncset.done @!p0 $0x0  }
0x20a: {  	[sflag:s0] =	ssyncadd.s32 @!p0 s1  }
0x20b: {  	[bflag:$0x3] =	sbarrier.arrive $0xFFFF  }
0x20c: {  	_ =	shalt  }

// kernel: sparse-core-data-format-call.cloned.1.call-start
scs
called_computation_lowered:
.L_overlay_start_0:
0x0: {  	s2 =	sld [smem:$0x3FD9]  }
0x1: {  	s3 =	sld [smem:$0x3FFE];
	_ =	sdelay $0x1  }
0x2: {  	s1 =	srdreg.scid  }
0x3: {  	s0 =	sand.u32 $0x1, s1  }
0x4: {  	s18 =	sshll.u32 s0, $0xA;
	s2 =	sadd.s32 s3, s2  }
0x5: {  	s2 =	sadd.s32 s2, s18  }
0x6: {  	[smem:$0x3FC6] =	sst s2  }
0x7: {  	_ = 	snop  }
0x8: {  	s2 =	sld [smem:$0x3FD0];
	(tm) =	ssettm $0x1  }
0x9: {  	s19 =	sld [smem:$0x3FFB];
	_ =	sdelay $0x3  }
0xa: {  	_ =	strace s19  }
0xb: {  	s3 =	sld [smem:$0x3FFC];
	_ =	sdelay $0x3  }
0xc: {  	_ =	strace s3  }
0xd: {  	s3 =	sld [smem:$0x3FFD];
	_ =	sdelay $0x3  }
0xe: {  	_ =	strace s3  }
0xf: {  	_ =	strace $0x8FFFFFFF  }
0x10: {  	s20 =	sld [smem:$0x3FDB];
	_ =	sdelay $0x1  }
0x11: {  	s4 =	simm.s32 $_scs_section_size  }
0x12: {  	s5 =	simm.s32 $_size__tile_overlayer_lowered;
	s6 =	simm.s32 $_tile_overlayer_lowered  }
0x13: {  	s23 =	simm.s32 $0x1BFF;
	s22 =	sshll.u32 s6, $0x1;
	s3 =	sadd.s32 s4, s20  }
0x14: {  	s7 =	simm.s32 $0x0;
	s21 =	sshll.u32 s5, $0x1;
	s5 =	sadd.s32 s22, s3  }
0x15: {  	[timem:s7], [sflag:s23] =	dma.local [hbm:s5], s21  }
0x16: {  	_ =	swait.ge [sflag:s23], s21  }
0x17: {  	s4 =	ssub.s32 $0x0, s21;
	[sflag:s23] =	ssyncset.done $0x0  }
0x18: {  	[sflag:s23] =	ssyncadd.s32 s4;
	_ =	sdelay $0x1  }
0x19: {  	s24 =	simm.s32 $0x1B8B  }
0x1a: {  	_ =	swait.ge [sflag:s24], $0x1  }
0x1b: {  	[sflag:s24] =	ssyncset.done $0x0  }
0x1c: {  	s26 =	simm.s32 $0x1B8E;
	s25 =	sld [smem:$0x3FFE];
	[sflag:s24] =	ssyncadd.s32 $0xFFFFFFFF  }
0x1d: {  	s27 =	simm.s32 $execute0_lowered;
	[smem:$0x3FD2] =	sst s26  }
0x1e: {  	s5 =	sshll.u32 s27, $0x1;
	_ =	strace $0x80000049;
	[dreg:$0x1] =	wrdreg $0xFFFFFFFF  }
0x1f: {  	s28 =	simm.s32 $_size_execute0_lowered;
	s3 =	sadd.s32 s3, s5;
	[dreg:$0x0] =	wrdreg $0x0  }
0x20: {  	s5 =	sshll.u32 s28, $0x1;
	[dreg:$0x2] =	wrdreg s3  }
0x21: {  	[dreg:$0x3] =	wrdreg s5  }
0x22: {  	[dreg:$0x4] =	wrdreg $0xC0  }
0x23: {  	_ =	task [dreg:s7], $0x5FFFF  }
0x24: {  	[dreg:$0x1] =	wrdreg $0xFFFFFFFF  }
0x25: {  	[dreg:$0x0] =	wrdreg $0x60  }
0x26: {  	[dreg:$0x2] =	wrdreg s25  }
0x27: {  	[dreg:$0x3] =	wrdreg s2  }
0x28: {  	[dreg:$0x4] =	wrdreg $0x9  }
0x29: {  	_ =	task.clear_ibuf [dreg:s7], $0x5FFFF;
	_ =	strace $0x90000049  }
0x2a: {  	s29 =	simm.s32 $0x9;
	_ =	strace $0x8000004B  }
0x2b: {  	_ =	swait.ge [sflag:s29], $0x1  }
0x2c: {  	[sflag:s29] =	ssyncadd.s32 $0xFFFFFFFF  }
0x2d: {  	_ =	strace $0x9000004B  }
0x2e: {  	_ =	sfence  }
0x2f: {  	s30 =	sld [smem:$0x0];
	_ =	sdelay $0x2  }
0x30: {  	s31 =	sshll.u32 s1, $0xD;
	s1 =	sshrl.u32 s1, $0x2  }
0x31: {  	s3 =	sand.u32 $0x4000, s31;
	s1 =	sadd.s32 s1, s30  }
0x32: {  	s0 =	sor.u32 s3, s0;
	s1 =	sshll.u32 s1, $0x11  }
0x33: {  	s0 =	sor.u32 s1, s0  }
0x34: {  	s0 =	sadd.s32 $0x8F2B, s0  }
0x35: {  	[sflag:s0] =	ssyncadd.remote.s32 $0x1  }
0x36: {  	_ =	sfence.sel $0xFFFF  }
0x37: {  	[dreg:$0x0] =	wrdreg $0xFFFFFFFF;
	(pc) =	sbr.abs _section_cstart, $3  }
0x38: {  	[dreg:$0x1] =	wrdreg $0xFFFFFFFF  }
0x39: {  	_ =	task.clear_ibuf [dreg:s7], $0x2FFFF;
	_ =	strace $0x9FFFFFFF  }
0x3a: {  	(tm) =	ssettm $0x7FFFFFFF  }
0x3b: {  	_ =	shalt  }
tec
execute0_lowered:
.L_overlay_start_1:
0x0: {  	(tag) =	ssettag $0x1  }
0x1: {  	s0 =	srdreg.scid  }
0x2: {  	s1 =	sshll.u32 s0, $0x4  }
0x3: {  	s0 =	stileid.u32;
	s1 =	sand.u32 $0x10, s1  }
0x4: {  	s1 =	sor.u32 s0, s1  }
0x5: {  	s6 =	rddreg [dreg:$0x0];
	s4 =	simm.s32 $0x1;
	s2 =	sshll.u32 s1, $0x7  }
0x6: {  	s7 =	simm.s32 $0x2;
	s12 =	simm.s32 $0x0;
	s1 =	ssub.s32 $0x4000, s2  }
0x7: {  	s8 =	simm.s32 $0x20000;
	s13 =	simm.s32 $0x0;
	s3 =	sand.u32 $0xF80, s1  }
0x8: {  	s9 =	simm.s32 $0x0;
	s5 =	sshrl.u32 s1, $0xC;
	p0 =	sne.s32 s3, $0x0  }
.Ltmp0:
0x9: {  	s1 =	rddreg [dreg:$0x2];
	s4 =	simm.s32 @!p0 $0x0;
	(pc) =	sbr.rel .LBB1_1-.Ltmp0, $4  }
0xa: {  	s11 =	simm.s32 $0x0;
	s3 =	rddreg [dreg:$0x1];
	s5 =	sadd.s32 s4, s5  }
0xb: {  	_ =	strace $0x8000004A;
	s4 =	simm.s32 $0x1;
	s5 =	smul.u32 $0x32, s5  }
0xc: {  	s6 =	sadd.s32 $0xA00, s6;
	s10 =	smov.u32 s2;
	[sflag:s4] =	ssyncpa.u1 $0x0  }
0xd: {  	p0 =	por $0x0, $0x0;
	[sflag:s7] =	ssyncpa.u1 $0x0;
	s7 =	sor.u32 $0x1, s5  }
.LBB1_4:
0xe: {  	s16 =	sshll.u32 s13, $0x3;
	s17 =	sand.u32 $0x78, s13  }
0xf: {  	s30 =	sand.u32 $0x1F800, s13;
	s12 =	sshll.u32 s12, $0x11;
	s16 =	sand.u32 $0x3C00, s16  }
0x10: {  	[tilespmem:s15+$0x810 ss:$0x81] =	vst.msk $0xffff, v2;
	s31 =	sand.u32 $0x7, s13;
	s16 =	sor.u32 s17, s16;
	s17 =	sadd.s32 s3, s30  }
0x11: {  	[tilespmem:s15+$0x1020 ss:$0x81] =	vst.msk $0xffff, v0;
	s13 =	sshll.u32 s31, $0x12;
	s12 =	sadd.s32 s12, s17;
	s16 =	sshrl.u32 s16, $0x3  }
0x12: {  	[tilespmem:s15+$0x0 ss:$0x81] =	vst.msk $0xffff, v1;
	s13 =	sor.u32 $0x400, s13;
	s12 =	sadd.s32 s16, s12  }
0x13: {  	[hbm4b:s12+s13] =	stream.strided.scatter [tilespmem:s14], [sflag:$0x2], $0x2000, s8, s13, $0x20;
	[tilespmem:$0x8080] =	vst v63  }
.LBB1_5:
0x14: {  	s14 =	sadd.s32 $0x1, s9  }
0x15: {  	s12 =	sadd.s32 $0x1000, s10;
	s16 =	smov.u32 s10;
	p2 =	sgt.s32 s14, $0x31  }
0x16: {  	s16 =	smov.u32 @p2 s12  }
0x17: {  	s14 =	simm.s32 @p2 $0x0;
	p2 =	sgt.s32 s16, $0x3FFF  }
0x18: {  	s16 =	smov.u32 @p2 s2;
	p2 =	sne.s32 s11, s7  }
.Ltmp1:
0x19: {  	p1 =	slt.u32 s11, $0x2;
	(pc) =	sbr.rel @!p2 .LBB1_6-.Ltmp1, $4  }
0x1a: {  	s15 =	simm.s32 @!p1 $0x2  }
0x1b: {  	s13 =	smov.u32 s10;
	p0 =	por !p0, !p0;
	_ =	swait.ge @!p1 [sflag:s15], $0x2000  }
0x1c: {  	s12 =	smov.u32 s9;
	[sflag:s15] =	ssyncset.done @!p1 $0x0;
	s9 =	smov.u32 s14  }
0x1d: {  	s11 =	sadd.s32 $0x1, s11;
	[sflag:s15] =	ssyncadd.s32 @!p1 $0xFFFFE000;
	s10 =	smov.u32 s16  }
.LBB1_1:
0x1e: {  	p1 =	sge.u32 s11, s5  }
0x1f: {  	s14 =	sand.u32 @!p1 $0x1FFFFFF, s9  }
0x20: {  	s15 =	smulhi.u32 @!p1 $0x4924925, s14;
	_ =	sdelay $0x1  }
0x21: {  	s15 =	smul.u32 @!p1 $0x38, s15  }
0x22: {  	s16 =	sxor.u32 @!p1 $0xFFFFFFFF, s11;
	s17 =	smul.u32 @!p1 $0x380, s10  }
0x23: {  	s31 =	sadd.s32 $0xFFFFFFFF, s11;
	s16 =	sshll.u32 @!p1 s16, $0xD;
	s14 =	ssub.s32 @!p1 s14, s15  }
0x24: {  	s15 =	sand.u32 @!p1 $0x2000, s16;
	s16 =	sadd.s32 @!p1 s6, s17;
	s14 =	sshll.u32 @!p1 s14, $0x4  }
0x25: {  	s17 =	simm.s32 @!p1 $0x1C00;
	s14 =	sadd.s32 @!p1 s14, s16;
	s16 =	simm.s32 @!p1 $0x40  }
0x26: {  	[tilespmem:s15], [sflag:$0x1] =	stream.strided.gather @!p1 [hbm4b:s14+s16], $0x2000, s17, s16, $0x38;
	[tilespmem:$0x8080] =	vst v63  }
0x27: {  	p1 =	sge.u32 s31, s5  }
.Ltmp2:
0x28: {  	_ = 	snop;
	(pc) =	sbr.rel @p1 .LBB1_5-.Ltmp2, $1  }
0x29: {  	_ =	sdelay $0x3  }
0x2a: {  	s14 =	simm.s32 $0x1  }
0x2b: {  	_ =	swait.ge [sflag:s4], $0x2000;
	s14 =	simm.s32 @!p0 $0x0  }
0x2c: {  	[sflag:s4] =	ssyncset.done $0x0;
	s15 =	sshll.u32 s14, $0xD  }
0x2d: {  	[sflag:s4] =	ssyncadd.s32 $0xFFFFE000;
	s18 =	sor.u32 $0x20, s15  }
0x2e: {  	s14 =	smul.u32 $0x8100, s14;
	v3 =	vld [tilespmem:s18+$0x10]  }
0x2f: {  	s30 =	sand.u32 $0x1, s11;
	v2 =	vld [tilespmem:s18+$0xFFFFFFF0]  }
0x30: {  	s15 =	smul.u32 $0x8100, s30;
	s14 =	sshrl.u32 s14, $0x2;
	v0 =	vld [tilespmem:s18+$0x0]  }
0x31: {  	v1 =	vld [tilespmem:s18+$0xFFFFFFE0];
	s16 =	sor.u32 $0x4000, s14  }
0x32: {  	s31 =	sshrl.u32 s15, $0x2;
	s15 =	sadd.s32 $0x0, s16  }
0x33: {  	s17 =	simm.s32 $0x4;
	s18 =	sadd.s32 $0x40, s18;
	s14 =	sor.u32 $0x4000, s31;
	[tilespmem:s15+$0x1830 ss:$0x81] =	vst.msk $0xffff, v3  }
.LBB1_3:
0x34: {  	v3 =	vld [tilespmem:s18+$0x10];
	p1 =	sne.s32 s17, $0x1FC;
	[tilespmem:s15+$0x810 ss:$0x81] =	vst.msk $0xffff, v2;
	s19 =	smov.u32 s17;
	s17 =	sadd.s32 $0x4, s17  }
.Ltmp3:
0x35: {  	v2 =	vld [tilespmem:s18+$0xFFFFFFF0];
	[tilespmem:s15+$0x1020 ss:$0x81] =	vst.msk $0xffff, v0;
	(pc) =	sbr.rel @p1 .LBB1_3-.Ltmp3, $4  }
0x36: {  	v0 =	vld [tilespmem:s18+$0x0];
	[tilespmem:s15+$0x0 ss:$0x81] =	vst.msk $0xffff, v1  }
0x37: {  	s15 =	sshra.s32 s19, $0x2;
	v1 =	vld [tilespmem:s18+$0xFFFFFFE0]  }
0x38: {  	s15 =	sadd.s32 s15, s16  }
0x39: {  	s18 =	sadd.s32 $0x40, s18;
	[tilespmem:s15+$0x1830 ss:$0x81] =	vst.msk $0xffff, v3  }
.Ltmp4:
0x3a: {  	_ = 	snop;
	(pc) =	sbr.rel .LBB1_4-.Ltmp4, $1  }
0x3b: {  	_ =	sdelay $0x3  }
.LBB1_6:
0x3c: {  	_ =	sfence.sel $0x180000  }
0x3d: {  	s2 =	simm.s32 $0x1;
	[bflag:$0x0] =	sbarrier.arrive $0xFFFF  }
0x3e: {  	s31 =	simm.s32 $0x2;
	[sflag:s2] =	ssyncpa.u1 $0x1  }
0x3f: {  	[sflag:s31] =	ssyncpa.u1 $0x1  }
0x40: {  	p0 =	sne.s32 s0, $0x0;
	_ =	strace $0x9000004A  }
0x41: {  	s0 =	sadd.s32 @!p0 $0x100000, s1;
	[bflag:$0x2] =	sbarrier.arrive $0xFFFF  }
0x42: {  	[sflag:s0] =	ssyncadd.tile.s32 @!p0 $0x1;
	_ =	shalt  }
.Lfunc_end1:
_tile_overlayer_lowered:
.L_overlay_start_2:
0x43: {  	(tag) =	ssettag $0x2  }
0x44: {  	s0 =	rddreg [dreg:$0x0];
	s2 =	stileid.u32  }
0x45: {  	s1 =	rddreg [dreg:$0x1];
	p0 =	sne.s32 s2, $0x0  }
0x46: {  	s3 =	rddreg [dreg:$0x2];
	[bflag:$0x3] =	sbarrier.arrive $0xFFFF;
	s2 =	simm.s32 @!p0 $0x1C01  }
0x47: {  	[timem:s3], [sflag:s2] =	dma.local @!p0 [hbm:s0], s1  }
0x48: {  	s0 =	simm.s32 @!p0 $0x1  }
0x49: {  	_ =	swait.ge @!p0 [sflag:s0], s1  }
0x4a: {  	s1 =	ssub.s32 @!p0 $0x0, s1;
	[sflag:s0] =	ssyncset.done @!p0 $0x0  }
0x4b: {  	[sflag:s0] =	ssyncadd.s32 @!p0 s1  }
0x4c: {  	[bflag:$0x3] =	sbarrier.arrive $0xFFFF  }
0x4d: {  	_ =	shalt  }

</sc_bundles>
